<compile_context>
chip_gen: v7x
topology: tpu7x:2x2x1
jax: 0.10.2.dev20260603
libtpu: 0.0.44.dev20260713+nightly
codegen_flags: <defaults>
</compile_context>

<pallas_src>
import functools

import jax
import jax.numpy as jnp
from jax import lax
from jax.experimental import pallas as pl
from jax.experimental.pallas import tpu as pltpu
from jax.experimental.pallas import tpu_sc as plsc

N = 10000
D = 128
E = 320000
NC = 2
NS = 16
NW = NC * NS
CH = 128
NCHUNK_W = 80
GW = 20
NGRP = NCHUNK_W // GW
EPW = CH * NCHUNK_W
EP = EPW * NW
NCHUNK_TOTAL = EP // CH
ROWS_PER_TILE = 624
ROWS_TAIL = N - NS * ROWS_PER_TILE


def _leaky(v):
    return jnp.where(v >= 0, v, 0.01 * v)



def _bn_body(x_ref, g_ref, b_ref, h_ref):
    x = x_ref[...]
    mean = jnp.mean(x, axis=0, keepdims=True)
    var = jnp.mean((x - mean) ** 2, axis=0, keepdims=True)
    h = (x - mean) / jnp.sqrt(var + 1e-5) * g_ref[...] + b_ref[...]
    h_ref[...] = _leaky(h)


def _bn(x, gamma, beta):
    return pl.pallas_call(
        _bn_body,
        out_shape=jax.ShapeDtypeStruct((N, D), jnp.float32),
    )(x, gamma.reshape(1, D), beta.reshape(1, D))



_EB = 6400


def _edge_body(eat_ref, w1t_ref, b1_ref, w2t_ref, b2_ref, out_ref):
    a = jnp.dot(w1t_ref[...], eat_ref[...], preferred_element_type=jnp.float32)
    a = _leaky(a + b1_ref[...])
    v = jnp.dot(w2t_ref[...], a, preferred_element_type=jnp.float32) + b2_ref[...]
    out_ref[...] = jnp.where(v > 0, v, jnp.exp(v) - 1.0)


def _edge_w(edge_attr, et_w1, et_b1, et_w2, et_b2):
    eat = edge_attr.T
    grid = E // _EB
    return pl.pallas_call(
        _edge_body,
        grid=(grid,),
        in_specs=[
            pl.BlockSpec((16, _EB), lambda i: (0, i)),
            pl.BlockSpec((8, 16), lambda i: (0, 0)),
            pl.BlockSpec((8, 1), lambda i: (0, 0)),
            pl.BlockSpec((1, 8), lambda i: (0, 0)),
            pl.BlockSpec((1, 1), lambda i: (0, 0)),
        ],
        out_specs=pl.BlockSpec((1, _EB), lambda i: (0, i)),
        out_shape=jax.ShapeDtypeStruct((1, E), jnp.float32),
    )(eat, et_w1.T, et_b1.reshape(8, 1), et_w2.T, et_b2.reshape(1, 1))



_MESH = plsc.VectorSubcoreMesh(
    core_axis_name="c", subcore_axis_name="s", num_cores=NC, num_subcores=NS)


@functools.partial(
    pl.kernel,
    out_type=jax.ShapeDtypeStruct((NC, N, D), jnp.float32),
    mesh=_MESH,
    scratch_types=[
        pltpu.VMEM((GW, 1, CH), jnp.int32),
        pltpu.VMEM((GW, 1, CH), jnp.int32),
        pltpu.VMEM((GW, 1, CH + 16), jnp.float32),
        pltpu.VMEM((2, CH, D), jnp.float32),
        pltpu.VMEM_SHARED((N, D), jnp.float32),
        pltpu.SemaphoreType.DMA,
        pltpu.SemaphoreType.DMA,
        pltpu.SemaphoreType.DMA,
    ],
)
def _sc_aggregate(h_hbm, src_hbm, dst_hbm, w_hbm, zero_hbm, out_hbm,
                  src_v, dst_v, w_v, rows_v, acc, gsem0, gsem1, ssem):
    c = lax.axis_index("c")
    s = lax.axis_index("s")
    wid = s * NC + c

    pltpu.sync_copy(zero_hbm,
                    acc.at[pl.ds(s * ROWS_PER_TILE, ROWS_PER_TILE)])

    @pl.when(s == 0)
    def _zero_tail():
        pltpu.sync_copy(zero_hbm.at[pl.ds(0, ROWS_TAIL)],
                        acc.at[pl.ds(NS * ROWS_PER_TILE, ROWS_TAIL)])

    base = wid * NCHUNK_W
    plsc.subcore_barrier()

    def group(grp, carry):
        gbase = base + grp * GW
        pltpu.sync_copy(src_hbm.at[pl.ds(gbase, GW)], src_v)
        pltpu.sync_copy(dst_hbm.at[pl.ds(gbase, GW)], dst_v)
        pltpu.sync_copy(w_hbm.at[pl.ds(gbase, GW)], w_v)

        pltpu.async_copy(h_hbm.at[src_v.at[0, 0]], rows_v.at[0], gsem0)

        def emit_window(g, buf, sem_this, sem_other, first):
            @pl.when(jnp.logical_not(first))
            def _wait_scatter():
                pltpu.make_async_copy(rows_v.at[1 - buf],
                                      acc.at[dst_v.at[g, 0]], ssem).wait()

            @pl.when(g + 1 < GW)
            def _next_gather():
                pltpu.async_copy(h_hbm.at[src_v.at[g + 1, 0]],
                                 rows_v.at[1 - buf], sem_other)

            pltpu.make_async_copy(h_hbm.at[src_v.at[g, 0]], rows_v.at[buf],
                                  sem_this).wait()

            def _scale(e):
                wval = w_v[g, 0, pl.ds(e, 16)][0]
                for j in range(D // 16):
                    sl = pl.ds(j * 16, 16)
                    rows_v[buf, e, sl] = rows_v[buf, e, sl] * wval

            plsc.parallel_loop(0, CH, 1, unroll=4)(_scale)

            pltpu.async_copy(rows_v.at[buf], acc.at[dst_v.at[g, 0]], ssem,
                             add=True)

        def pair(q, carry2):
            g0 = 2 * q
            emit_window(g0, 0, gsem0, gsem1, first=(q == 0))
            emit_window(g0 + 1, 1, gsem1, gsem0, first=jnp.bool_(False))
            return carry2

        lax.fori_loop(0, GW // 2, pair, 0, unroll=False)
        pltpu.make_async_copy(rows_v.at[1], acc.at[dst_v.at[GW - 1, 0]],
                              ssem).wait()
        return carry

    lax.fori_loop(0, NGRP, group, 0, unroll=False)
    plsc.subcore_barrier()

    pltpu.sync_copy(acc.at[pl.ds(s * ROWS_PER_TILE, ROWS_PER_TILE)],
                    out_hbm.at[c, pl.ds(s * ROWS_PER_TILE, ROWS_PER_TILE)])

    @pl.when(s == 0)
    def _out_tail():
        pltpu.sync_copy(acc.at[pl.ds(NS * ROWS_PER_TILE, ROWS_TAIL)],
                        out_hbm.at[c, pl.ds(NS * ROWS_PER_TILE, ROWS_TAIL)])



_RB = 1000


def _mlp_body(p_ref, h_ref, x_ref, w1_ref, b1_ref, w2_ref, b2_ref, out_ref):
    a = p_ref[0] + p_ref[1] + h_ref[...]
    t = jnp.dot(a, w1_ref[...], preferred_element_type=jnp.float32) + b1_ref[...]
    t = _leaky(t)
    out_ref[...] = (jnp.dot(t, w2_ref[...], preferred_element_type=jnp.float32)
                    + b2_ref[...] + x_ref[...])


def _mlp(partials, h, x, nn_w1, nn_b1, nn_w2, nn_b2):
    grid = N // _RB
    return pl.pallas_call(
        _mlp_body,
        grid=(grid,),
        in_specs=[
            pl.BlockSpec((NC, _RB, D), lambda i: (0, i, 0)),
            pl.BlockSpec((_RB, D), lambda i: (i, 0)),
            pl.BlockSpec((_RB, D), lambda i: (i, 0)),
            pl.BlockSpec((D, D), lambda i: (0, 0)),
            pl.BlockSpec((1, D), lambda i: (0, 0)),
            pl.BlockSpec((D, D), lambda i: (0, 0)),
            pl.BlockSpec((1, D), lambda i: (0, 0)),
        ],
        out_specs=pl.BlockSpec((_RB, D), lambda i: (i, 0)),
        out_shape=jax.ShapeDtypeStruct((N, D), jnp.float32),
    )(partials, h, x, nn_w1, nn_b1.reshape(1, D), nn_w2, nn_b2.reshape(1, D))



def kernel(x, edge_index, edge_attr, bn_gamma, bn_beta,
           et_w1, et_b1, et_w2, et_b2,
           nn_w1, nn_b1, nn_w2, nn_b2):
    h = _bn(x, bn_gamma, bn_beta)
    w = _edge_w(edge_attr, et_w1, et_b1, et_w2, et_b2)[0]

    src = edge_index[0].astype(jnp.int32)
    dst = edge_index[1].astype(jnp.int32)
    pad = EP - E
    pad_idx = jnp.arange(pad, dtype=jnp.int32) % N
    src_p = jnp.concatenate([src, pad_idx]).reshape(NCHUNK_TOTAL, 1, CH)
    dst_p = jnp.concatenate([dst, pad_idx]).reshape(NCHUNK_TOTAL, 1, CH)
    w_p = jnp.concatenate([w, jnp.zeros((pad,), jnp.float32)]).reshape(
        NCHUNK_TOTAL, 1, CH)
    w_p = jnp.pad(w_p, ((0, 0), (0, 0), (0, 16)))
    zeros = jnp.zeros((ROWS_PER_TILE, D), jnp.float32)

    partials = _sc_aggregate(h, src_p, dst_p, w_p, zeros)
    return _mlp(partials, h, x, nn_w1, nn_b1, nn_w2, nn_b2)

# --- scband reference (transcript-rebuilt; emitter-appended) ---
"""Pipeline reference for scband-residual-block-4612794876592 (READ-ONLY COPY).

The authoritative reference and input builder live on the scoring server;
editing this copy changes nothing except your own understanding.
"""

import jax, jax.numpy as jnp
import numpy as np

N = 10000
E = 320000
D = 128
DE = 16

def leaky_relu(v):
    return jnp.where(v >= 0, v, 0.01 * v)

def elu(v):
    return jnp.where(v > 0, v, jnp.expm1(v))

def setup_inputs(seed: int = 0) -> dict:
    key = jax.random.key(seed)
    ks = jax.random.split(key, 12)
    x = jax.random.normal(ks[0], (N, D), dtype=jnp.float32)
    edge_index = jax.random.randint(ks[1], (2, E), 0, N, dtype=jnp.int64)
    edge_attr = jax.random.normal(ks[2], (E, DE), dtype=jnp.float32)
    # BatchNorm1d(dim) params
    bn_gamma = jnp.ones((D,), dtype=jnp.float32)
    bn_beta = jnp.zeros((D,), dtype=jnp.float32)
    # edge_transformer: Linear(16,8) -> LeakyReLU -> Linear(8,1) -> ELU
    et_w1 = jax.random.normal(ks[3], (DE, 8), dtype=jnp.float32) * (1.0 / np.sqrt(DE))
    et_b1 = jax.random.normal(ks[4], (8,), dtype=jnp.float32) * 0.01
    et_w2 = jax.random.normal(ks[5], (8, 1), dtype=jnp.float32) * (1.0 / np.sqrt(8))
    et_b2 = jax.random.normal(ks[6], (1,), dtype=jnp.float32) * 0.01
    # nn: Linear(num_features, dim) -> LeakyReLU -> Linear(dim, dim)
    nn_w1 = jax.random.normal(ks[7], (D, D), dtype=jnp.float32) * (1.0 / np.sqrt(D))
    nn_b1 = jax.random.normal(ks[8], (D,), dtype=jnp.float32) * 0.01
    nn_w2 = jax.random.normal(ks[9], (D, D), dtype=jnp.float32) * (1.0 / np.sqrt(D))
    nn_b2 = jax.random.normal(ks[10], (D,), dtype=jnp.float32) * 0.01
    return {
        "x": x, "edge_index": edge_index, "edge_attr": edge_attr,
        "bn_gamma": bn_gamma, "bn_beta": bn_beta,
        "et_w1": et_w1, "et_b1": et_b1, "et_w2": et_w2, "et_b2": et_b2,
        "nn_w1": nn_w1, "nn_b1": nn_b1, "nn_w2": nn_w2, "nn_b2": nn_b2,
    }

def reference(x, edge_index, edge_attr, bn_gamma, bn_beta,
              et_w1, et_b1, et_w2, et_b2,
              nn_w1, nn_b1, nn_w2, nn_b2):
    eps_gin = 0.0  # train_eps=False, initial eps=0
    x_skip = x
    # BatchNorm1d in training mode: batch statistics, biased variance
    mean = jnp.mean(x, axis=0)
    var = jnp.mean((x - mean) ** 2, axis=0)
    h = (x - mean) / jnp.sqrt(var + 1e-5) * bn_gamma + bn_beta
    h = leaky_relu(h)
    # SCNWMConv (GINConv with neural edge-weighted messages)
    src = edge_index[0]
    dst = edge_index[1]
    w = elu(leaky_relu(edge_attr @ et_w1 + et_b1) @ et_w2 + et_b2)  # [E, 1]
    msg = h[src] * w  # gather + per-edge scale
    agg = jax.ops.segment_sum(msg, dst, num_segments=h.shape[0])  # scatter-add
    out = agg + (1.0 + eps_gin) * h
    out = leaky_relu(out @ nn_w1 + nn_b1) @ nn_w2 + nn_b2
    return out + x_skip

if __name__ == "__main__":
    import jax
    _d = setup_inputs()
    print(jax.jit(kernel)(*tuple(_d.values())))

</pallas_src>

<mosaic_0001>
#map = affine_map<(d0, d1) -> (0, 0)>
#map1 = affine_map<(d0, d1) -> (0, 0, 0)>
module attributes {stable_mosaic.version = 14 : i64} {
  func.func @_sc_aggregate(%arg0: i32, %arg1: i32, %arg2: memref<10000x128xf32, #tpu.memory_space<hbm>>, %arg3: memref<2560x1x128xi32, #tpu.memory_space<hbm>>, %arg4: memref<2560x1x128xi32, #tpu.memory_space<hbm>>, %arg5: memref<2560x1x144xf32, #tpu.memory_space<hbm>>, %arg6: memref<624x128xf32, #tpu.memory_space<hbm>>, %arg7: memref<2x10000x128xf32, #tpu.memory_space<hbm>>, %arg8: memref<20x1x128xi32, #tpu.memory_space<vmem>>, %arg9: memref<20x1x128xi32, #tpu.memory_space<vmem>>, %arg10: memref<20x1x144xf32, #tpu.memory_space<vmem>>, %arg11: memref<2x128x128xf32, #tpu.memory_space<vmem>>, %arg12: memref<10000x128xf32, #tpu.memory_space<vmem_shared>>, %arg13: memref<!tpu.dma_semaphore, #tpu.memory_space<semaphore_mem>>, %arg14: memref<!tpu.dma_semaphore, #tpu.memory_space<semaphore_mem>>, %arg15: memref<!tpu.dma_semaphore, #tpu.memory_space<semaphore_mem>>) attributes {dimension_semantics = [#tpu.dimension_semantics<core_parallel>, #tpu.dimension_semantics<subcore_parallel>], iteration_bounds = array<i64: 2, 16>, scalar_prefetch = 0 : i64, scratch_operands = 8 : i64, tpu.core_type = #tpu.core_type<sc_vector_subcore>, window_params = [{transform_indices = #map}, {transform_indices = #map1}, {transform_indices = #map1}, {transform_indices = #map1}, {transform_indices = #map}, {transform_indices = #map1}]} {
    %mul3A = arith.constant 2 : i32
    %mul3A_0 = arith.muli %arg1, %mul3A : i32
    %add3A = arith.addi %mul3A_0, %arg0 : i32
    %mul3A_1 = arith.constant 624 : i32
    %mul3A_2 = arith.muli %arg1, %mul3A_1 : i32
    "tpu.region"() ({
      %run_scoped3A = tpu.sem_alloc : memref<!tpu.dma_semaphore, #tpu.memory_space<semaphore_mem>>
      %dma_start3A = arith.constant 0 : i32
      %dma_start3A_22 = tpu.memref_slice %arg12[%mul3A_2, %dma_start3A] : memref<10000x128xf32, #tpu.memory_space<vmem_shared>> -> memref<624x128xf32, #tpu.memory_space<vmem_shared>>
      tpu.enqueue_dma source(%arg6 : memref<624x128xf32, #tpu.memory_space<hbm>>) target(%dma_start3A_22 : memref<624x128xf32, #tpu.memory_space<vmem_shared>>) target_semaphore(%run_scoped3A : memref<!tpu.dma_semaphore, #tpu.memory_space<semaphore_mem>>)
      %dma_wait3A = arith.constant 0 : i32
      %dma_wait3A_23 = tpu.memref_slice %arg12[%mul3A_2, %dma_wait3A] : memref<10000x128xf32, #tpu.memory_space<vmem_shared>> -> memref<624x128xf32, #tpu.memory_space<vmem_shared>>
      tpu.wait_dma2 semaphore(%run_scoped3A : memref<!tpu.dma_semaphore, #tpu.memory_space<semaphore_mem>>) src(%arg6 : memref<624x128xf32, #tpu.memory_space<hbm>>) dst(%dma_wait3A_23 : memref<624x128xf32, #tpu.memory_space<vmem_shared>>)
      tpu.yield
    }) : () -> ()
    %eq3A = arith.constant 0 : i32
    %eq3A_3 = arith.cmpi eq, %arg1, %eq3A : i32
    %convert_element_type3A = arith.extui %eq3A_3 : i1 to i32
    %cond3A = arith.constant 0 : i32
    %cond3A_4 = arith.cmpi ne, %convert_element_type3A, %cond3A : i32
    scf.if %cond3A_4 {
      "tpu.region"() ({
        %run_scoped3A = tpu.sem_alloc : memref<!tpu.dma_semaphore, #tpu.memory_space<semaphore_mem>>
        %dma_start3A = arith.constant 9984 : i32
        %dma_start3A_22 = arith.constant 0 : i32
        %dma_start3A_23 = tpu.memref_slice %arg12[%dma_start3A, %dma_start3A_22] : memref<10000x128xf32, #tpu.memory_space<vmem_shared>> -> memref<16x128xf32, #tpu.memory_space<vmem_shared>>
        %dma_start3A_24 = arith.constant 0 : i32
        %dma_start3A_25 = arith.constant 0 : i32
        %dma_start3A_26 = tpu.memref_slice %arg6[%dma_start3A_24, %dma_start3A_25] : memref<624x128xf32, #tpu.memory_space<hbm>> -> memref<16x128xf32, #tpu.memory_space<hbm>>
        tpu.enqueue_dma source(%dma_start3A_26 : memref<16x128xf32, #tpu.memory_space<hbm>>) target(%dma_start3A_23 : memref<16x128xf32, #tpu.memory_space<vmem_shared>>) target_semaphore(%run_scoped3A : memref<!tpu.dma_semaphore, #tpu.memory_space<semaphore_mem>>)
        %dma_wait3A = arith.constant 9984 : i32
        %dma_wait3A_27 = arith.constant 0 : i32
        %dma_wait3A_28 = tpu.memref_slice %arg12[%dma_wait3A, %dma_wait3A_27] : memref<10000x128xf32, #tpu.memory_space<vmem_shared>> -> memref<16x128xf32, #tpu.memory_space<vmem_shared>>
        %dma_wait3A_29 = arith.constant 0 : i32
        %dma_wait3A_30 = arith.constant 0 : i32
        %dma_wait3A_31 = tpu.memref_slice %arg6[%dma_wait3A_29, %dma_wait3A_30] : memref<624x128xf32, #tpu.memory_space<hbm>> -> memref<16x128xf32, #tpu.memory_space<hbm>>
        tpu.wait_dma2 semaphore(%run_scoped3A : memref<!tpu.dma_semaphore, #tpu.memory_space<semaphore_mem>>) src(%dma_wait3A_31 : memref<16x128xf32, #tpu.memory_space<hbm>>) dst(%dma_wait3A_28 : memref<16x128xf32, #tpu.memory_space<vmem_shared>>)
        tpu.yield
      }) : () -> ()
    } else {
    }
    %mul3A_5 = arith.constant 80 : i32
    %mul3A_6 = arith.muli %add3A, %mul3A_5 : i32
    %barrier3A = arith.constant 0 : index
    tpu.barrier barrier_id(%barrier3A)
    %scan3A = arith.constant 0 : i32
    %scan3A_7 = arith.constant 0 : i32
    %scan3A_8 = arith.constant 4 : i32
    %scan3A_9 = arith.addi %scan3A_7, %scan3A_8 : i32
    %scan3A_10 = arith.constant 1 : i32
    scf.for %scan3A_22 = %scan3A_7 to %scan3A_9 step %scan3A_10  : i32 {
      %mul3A_23 = arith.constant 20 : i32
      %mul3A_24 = arith.muli %scan3A_22, %mul3A_23 : i32
      %add3A_25 = arith.addi %mul3A_6, %mul3A_24 : i32
      "tpu.region"() ({
        %run_scoped3A = tpu.sem_alloc : memref<!tpu.dma_semaphore, #tpu.memory_space<semaphore_mem>>
        %dma_start3A_56 = arith.constant 0 : i32
        %dma_start3A_57 = arith.constant 0 : i32
        %dma_start3A_58 = tpu.memref_slice %arg3[%add3A_25, %dma_start3A_56, %dma_start3A_57] : memref<2560x1x128xi32, #tpu.memory_space<hbm>> -> memref<20x1x128xi32, #tpu.memory_space<hbm>>
        %dma_start3A_59 = arith.constant 0 : i32
        %dma_start3A_60 = arith.constant 0 : i32
        %dma_start3A_61 = tpu.memref_slice %arg3[%add3A_25, %dma_start3A_59, %dma_start3A_60] : memref<2560x1x128xi32, #tpu.memory_space<hbm>> -> memref<20x1x128xi32, #tpu.memory_space<hbm>>
        tpu.enqueue_dma source(%dma_start3A_61 : memref<20x1x128xi32, #tpu.memory_space<hbm>>) target(%arg8 : memref<20x1x128xi32, #tpu.memory_space<vmem>>) target_semaphore(%run_scoped3A : memref<!tpu.dma_semaphore, #tpu.memory_space<semaphore_mem>>)
        %dma_wait3A_62 = arith.constant 0 : i32
        %dma_wait3A_63 = arith.constant 0 : i32
        %dma_wait3A_64 = tpu.memref_slice %arg3[%add3A_25, %dma_wait3A_62, %dma_wait3A_63] : memref<2560x1x128xi32, #tpu.memory_space<hbm>> -> memref<20x1x128xi32, #tpu.memory_space<hbm>>
        %dma_wait3A_65 = arith.constant 0 : i32
        %dma_wait3A_66 = arith.constant 0 : i32
        %dma_wait3A_67 = tpu.memref_slice %arg3[%add3A_25, %dma_wait3A_65, %dma_wait3A_66] : memref<2560x1x128xi32, #tpu.memory_space<hbm>> -> memref<20x1x128xi32, #tpu.memory_space<hbm>>
        tpu.wait_dma2 semaphore(%run_scoped3A : memref<!tpu.dma_semaphore, #tpu.memory_space<semaphore_mem>>) src(%dma_wait3A_67 : memref<20x1x128xi32, #tpu.memory_space<hbm>>) dst(%arg8 : memref<20x1x128xi32, #tpu.memory_space<vmem>>)
        tpu.yield
      }) : () -> ()
      "tpu.region"() ({
        %run_scoped3A = tpu.sem_alloc : memref<!tpu.dma_semaphore, #tpu.memory_space<semaphore_mem>>
        %dma_start3A_56 = arith.constant 0 : i32
        %dma_start3A_57 = arith.constant 0 : i32
        %dma_start3A_58 = tpu.memref_slice %arg4[%add3A_25, %dma_start3A_56, %dma_start3A_57] : memref<2560x1x128xi32, #tpu.memory_space<hbm>> -> memref<20x1x128xi32, #tpu.memory_space<hbm>>
        %dma_start3A_59 = arith.constant 0 : i32
        %dma_start3A_60 = arith.constant 0 : i32
        %dma_start3A_61 = tpu.memref_slice %arg4[%add3A_25, %dma_start3A_59, %dma_start3A_60] : memref<2560x1x128xi32, #tpu.memory_space<hbm>> -> memref<20x1x128xi32, #tpu.memory_space<hbm>>
        tpu.enqueue_dma source(%dma_start3A_61 : memref<20x1x128xi32, #tpu.memory_space<hbm>>) target(%arg9 : memref<20x1x128xi32, #tpu.memory_space<vmem>>) target_semaphore(%run_scoped3A : memref<!tpu.dma_semaphore, #tpu.memory_space<semaphore_mem>>)
        %dma_wait3A_62 = arith.constant 0 : i32
        %dma_wait3A_63 = arith.constant 0 : i32
        %dma_wait3A_64 = tpu.memref_slice %arg4[%add3A_25, %dma_wait3A_62, %dma_wait3A_63] : memref<2560x1x128xi32, #tpu.memory_space<hbm>> -> memref<20x1x128xi32, #tpu.memory_space<hbm>>
        %dma_wait3A_65 = arith.constant 0 : i32
        %dma_wait3A_66 = arith.constant 0 : i32
        %dma_wait3A_67 = tpu.memref_slice %arg4[%add3A_25, %dma_wait3A_65, %dma_wait3A_66] : memref<2560x1x128xi32, #tpu.memory_space<hbm>> -> memref<20x1x128xi32, #tpu.memory_space<hbm>>
        tpu.wait_dma2 semaphore(%run_scoped3A : memref<!tpu.dma_semaphore, #tpu.memory_space<semaphore_mem>>) src(%dma_wait3A_67 : memref<20x1x128xi32, #tpu.memory_space<hbm>>) dst(%arg9 : memref<20x1x128xi32, #tpu.memory_space<vmem>>)
        tpu.yield
      }) : () -> ()
      "tpu.region"() ({
        %run_scoped3A = tpu.sem_alloc : memref<!tpu.dma_semaphore, #tpu.memory_space<semaphore_mem>>
        %dma_start3A_56 = arith.constant 0 : i32
        %dma_start3A_57 = arith.constant 0 : i32
        %dma_start3A_58 = tpu.memref_slice %arg5[%add3A_25, %dma_start3A_56, %dma_start3A_57] : memref<2560x1x144xf32, #tpu.memory_space<hbm>> -> memref<20x1x144xf32, #tpu.memory_space<hbm>>
        %dma_start3A_59 = arith.constant 0 : i32
        %dma_start3A_60 = arith.constant 0 : i32
        %dma_start3A_61 = tpu.memref_slice %arg5[%add3A_25, %dma_start3A_59, %dma_start3A_60] : memref<2560x1x144xf32, #tpu.memory_space<hbm>> -> memref<20x1x144xf32, #tpu.memory_space<hbm>>
        tpu.enqueue_dma source(%dma_start3A_61 : memref<20x1x144xf32, #tpu.memory_space<hbm>>) target(%arg10 : memref<20x1x144xf32, #tpu.memory_space<vmem>>) target_semaphore(%run_scoped3A : memref<!tpu.dma_semaphore, #tpu.memory_space<semaphore_mem>>)
        %dma_wait3A_62 = arith.constant 0 : i32
        %dma_wait3A_63 = arith.constant 0 : i32
        %dma_wait3A_64 = tpu.memref_slice %arg5[%add3A_25, %dma_wait3A_62, %dma_wait3A_63] : memref<2560x1x144xf32, #tpu.memory_space<hbm>> -> memref<20x1x144xf32, #tpu.memory_space<hbm>>
        %dma_wait3A_65 = arith.constant 0 : i32
        %dma_wait3A_66 = arith.constant 0 : i32
        %dma_wait3A_67 = tpu.memref_slice %arg5[%add3A_25, %dma_wait3A_65, %dma_wait3A_66] : memref<2560x1x144xf32, #tpu.memory_space<hbm>> -> memref<20x1x144xf32, #tpu.memory_space<hbm>>
        tpu.wait_dma2 semaphore(%run_scoped3A : memref<!tpu.dma_semaphore, #tpu.memory_space<semaphore_mem>>) src(%dma_wait3A_67 : memref<20x1x144xf32, #tpu.memory_space<hbm>>) dst(%arg10 : memref<20x1x144xf32, #tpu.memory_space<vmem>>)
        tpu.yield
      }) : () -> ()
      %dma_start3A = arith.constant 0 : i32
      %dma_start3A_26 = arith.constant 0 : i32
      %dma_start3A_27 = arith.constant 0 : i32
      %dma_start3A_28 = arith.constant 0 : i32
      %dma_start3A_29 = arith.constant 0 : i32
      %dma_start3A_30 = tpu.memref_slice %arg11[%dma_start3A_27, %dma_start3A_28, %dma_start3A_29] : memref<2x128x128xf32, #tpu.memory_space<vmem>> -> memref<1x128x128xf32, #tpu.memory_space<vmem>>
      %dma_start3A_31 = tpu.memref_squeeze %dma_start3A_30 : memref<1x128x128xf32, #tpu.memory_space<vmem>> -> memref<128x128xf32, #tpu.memory_space<vmem>>
      %dma_start3A_32 = arith.constant 0 : i32
      %dma_start3A_33 = tpu.memref_slice %arg8[%dma_start3A, %dma_start3A_26, %dma_start3A_32] : memref<20x1x128xi32, #tpu.memory_space<vmem>> -> memref<1x1x128xi32, #tpu.memory_space<vmem>>
      %dma_start3A_34 = tpu.memref_squeeze %dma_start3A_33 : memref<1x1x128xi32, #tpu.memory_space<vmem>> -> memref<128xi32, #tpu.memory_space<vmem>>
      %dma_start3A_35 = arith.constant 0 : i32
      %dma_start3A_36 = arith.constant 0 : i32
      %dma_start3A_37 = tpu.memref_slice %arg2[%dma_start3A_35, %dma_start3A_36] : memref<10000x128xf32, #tpu.memory_space<hbm>> -> memref<10000x128xf32, #tpu.memory_space<hbm>>
      tpu.enqueue_indirect_dma source(%dma_start3A_37 : memref<10000x128xf32, #tpu.memory_space<hbm>>) target(%dma_start3A_31 : memref<128x128xf32, #tpu.memory_space<vmem>>) offsets(%dma_start3A_34 : memref<128xi32, #tpu.memory_space<vmem>>) semaphore(%arg13 : memref<!tpu.dma_semaphore, #tpu.memory_space<semaphore_mem>>)
      %scan3A_38 = arith.constant 0 : i32
      %scan3A_39 = arith.constant 0 : i32
      %scan3A_40 = arith.constant 10 : i32
      %scan3A_41 = arith.addi %scan3A_39, %scan3A_40 : i32
      %scan3A_42 = arith.constant 1 : i32
      scf.for %scan3A_56 = %scan3A_39 to %scan3A_41 step %scan3A_42  : i32 {
        %mul3A_57 = arith.constant 2 : i32
        %mul3A_58 = arith.muli %mul3A_57, %scan3A_56 : i32
        %eq3A_59 = arith.constant 0 : i32
        %eq3A_60 = arith.cmpi eq, %scan3A_56, %eq3A_59 : i32
        %not3A = arith.constant true
        %not3A_61 = arith.xori %eq3A_60, %not3A : i1
        %convert_element_type3A_62 = arith.extui %not3A_61 : i1 to i32
        %cond3A_63 = arith.constant 0 : i32
        %cond3A_64 = arith.cmpi ne, %convert_element_type3A_62, %cond3A_63 : i32
        scf.if %cond3A_64 {
          %dma_wait3A_139 = arith.constant 1 : i32
          %dma_wait3A_140 = arith.constant 0 : i32
          %dma_wait3A_141 = arith.constant 0 : i32
          %dma_wait3A_142 = arith.constant 0 : i32
          %dma_wait3A_143 = tpu.memref_slice %arg11[%dma_wait3A_139, %dma_wait3A_141, %dma_wait3A_142] : memref<2x128x128xf32, #tpu.memory_space<vmem>> -> memref<1x128x128xf32, #tpu.memory_space<vmem>>
          %dma_wait3A_144 = tpu.memref_squeeze %dma_wait3A_143 : memref<1x128x128xf32, #tpu.memory_space<vmem>> -> memref<128x128xf32, #tpu.memory_space<vmem>>
          %dma_wait3A_145 = arith.constant 0 : i32
          %dma_wait3A_146 = tpu.memref_slice %arg9[%mul3A_58, %dma_wait3A_140, %dma_wait3A_145] : memref<20x1x128xi32, #tpu.memory_space<vmem>> -> memref<1x1x128xi32, #tpu.memory_space<vmem>>
          %dma_wait3A_147 = tpu.memref_squeeze %dma_wait3A_146 : memref<1x1x128xi32, #tpu.memory_space<vmem>> -> memref<128xi32, #tpu.memory_space<vmem>>
          %dma_wait3A_148 = arith.constant 0 : i32
          %dma_wait3A_149 = arith.constant 0 : i32
          %dma_wait3A_150 = tpu.memref_slice %arg12[%dma_wait3A_148, %dma_wait3A_149] : memref<10000x128xf32, #tpu.memory_space<vmem_shared>> -> memref<10000x128xf32, #tpu.memory_space<vmem_shared>>
          tpu.wait_indirect_dma semaphore(%arg15 : memref<!tpu.dma_semaphore, #tpu.memory_space<semaphore_mem>>) src(%dma_wait3A_144 : memref<128x128xf32, #tpu.memory_space<vmem>>) dst(%dma_wait3A_150 : memref<10000x128xf32, #tpu.memory_space<vmem_shared>>)
        } else {
        }
        %add3A_65 = arith.constant 1 : i32
        %add3A_66 = arith.addi %mul3A_58, %add3A_65 : i32
        %lt3A = arith.constant 20 : i32
        %lt3A_67 = arith.cmpi slt, %add3A_66, %lt3A : i32
        %convert_element_type3A_68 = arith.extui %lt3A_67 : i1 to i32
        %cond3A_69 = arith.constant 0 : i32
        %cond3A_70 = arith.cmpi ne, %convert_element_type3A_68, %cond3A_69 : i32
        scf.if %cond3A_70 {
          %add3A_139 = arith.constant 1 : i32
          %add3A_140 = arith.addi %mul3A_58, %add3A_139 : i32
          %dma_start3A_141 = arith.constant 0 : i32
          %dma_start3A_142 = arith.constant 1 : i32
          %dma_start3A_143 = arith.constant 0 : i32
          %dma_start3A_144 = arith.constant 0 : i32
          %dma_start3A_145 = tpu.memref_slice %arg11[%dma_start3A_142, %dma_start3A_143, %dma_start3A_144] : memref<2x128x128xf32, #tpu.memory_space<vmem>> -> memref<1x128x128xf32, #tpu.memory_space<vmem>>
          %dma_start3A_146 = tpu.memref_squeeze %dma_start3A_145 : memref<1x128x128xf32, #tpu.memory_space<vmem>> -> memref<128x128xf32, #tpu.memory_space<vmem>>
          %dma_start3A_147 = arith.constant 0 : i32
          %dma_start3A_148 = tpu.memref_slice %arg8[%add3A_140, %dma_start3A_141, %dma_start3A_147] : memref<20x1x128xi32, #tpu.memory_space<vmem>> -> memref<1x1x128xi32, #tpu.memory_space<vmem>>
          %dma_start3A_149 = tpu.memref_squeeze %dma_start3A_148 : memref<1x1x128xi32, #tpu.memory_space<vmem>> -> memref<128xi32, #tpu.memory_space<vmem>>
          %dma_start3A_150 = arith.constant 0 : i32
          %dma_start3A_151 = arith.constant 0 : i32
          %dma_start3A_152 = tpu.memref_slice %arg2[%dma_start3A_150, %dma_start3A_151] : memref<10000x128xf32, #tpu.memory_space<hbm>> -> memref<10000x128xf32, #tpu.memory_space<hbm>>
          tpu.enqueue_indirect_dma source(%dma_start3A_152 : memref<10000x128xf32, #tpu.memory_space<hbm>>) target(%dma_start3A_146 : memref<128x128xf32, #tpu.memory_space<vmem>>) offsets(%dma_start3A_149 : memref<128xi32, #tpu.memory_space<vmem>>) semaphore(%arg14 : memref<!tpu.dma_semaphore, #tpu.memory_space<semaphore_mem>>)
        } else {
        }
        %dma_wait3A_71 = arith.constant 0 : i32
        %dma_wait3A_72 = arith.constant 0 : i32
        %dma_wait3A_73 = arith.constant 0 : i32
        %dma_wait3A_74 = arith.constant 0 : i32
        %dma_wait3A_75 = tpu.memref_slice %arg11[%dma_wait3A_72, %dma_wait3A_73, %dma_wait3A_74] : memref<2x128x128xf32, #tpu.memory_space<vmem>> -> memref<1x128x128xf32, #tpu.memory_space<vmem>>
        %dma_wait3A_76 = tpu.memref_squeeze %dma_wait3A_75 : memref<1x128x128xf32, #tpu.memory_space<vmem>> -> memref<128x128xf32, #tpu.memory_space<vmem>>
        %dma_wait3A_77 = arith.constant 0 : i32
        %dma_wait3A_78 = tpu.memref_slice %arg8[%mul3A_58, %dma_wait3A_71, %dma_wait3A_77] : memref<20x1x128xi32, #tpu.memory_space<vmem>> -> memref<1x1x128xi32, #tpu.memory_space<vmem>>
        %dma_wait3A_79 = tpu.memref_squeeze %dma_wait3A_78 : memref<1x1x128xi32, #tpu.memory_space<vmem>> -> memref<128xi32, #tpu.memory_space<vmem>>
        %dma_wait3A_80 = arith.constant 0 : i32
        %dma_wait3A_81 = arith.constant 0 : i32
        %dma_wait3A_82 = tpu.memref_slice %arg2[%dma_wait3A_80, %dma_wait3A_81] : memref<10000x128xf32, #tpu.memory_space<hbm>> -> memref<10000x128xf32, #tpu.memory_space<hbm>>
        tpu.wait_indirect_dma semaphore(%arg13 : memref<!tpu.dma_semaphore, #tpu.memory_space<semaphore_mem>>) src(%dma_wait3A_82 : memref<10000x128xf32, #tpu.memory_space<hbm>>) dst(%dma_wait3A_76 : memref<128x128xf32, #tpu.memory_space<vmem>>)
        %parallel_loop3A = arith.constant 0 : i32
        %parallel_loop3A_83 = arith.constant 128 : i32
        %parallel_loop3A_84 = arith.constant 1 : i32
        scf.for %parallel_loop3A_139 = %parallel_loop3A to %parallel_loop3A_83 step %parallel_loop3A_84  : i32 {
          %parallel_loop3A_140 = arith.constant 0 : i32
          %parallel_loop3A_141 = arith.index_cast %mul3A_58 : i32 to index
          %parallel_loop3A_142 = arith.index_cast %parallel_loop3A_140 : i32 to index
          %parallel_loop3A_143 = arith.index_cast %parallel_loop3A_139 : i32 to index
          %parallel_loop3A_144 = tpu.vector_load %arg10[%parallel_loop3A_141, %parallel_loop3A_142, %parallel_loop3A_143] {strides = array<i32>} : memref<20x1x144xf32, #tpu.memory_space<vmem>>, vector<1x1x16xf32>,
          %parallel_loop3A_145 = vector.shape_cast %parallel_loop3A_144 : vector<1x1x16xf32> to vector<16xf32>
          %parallel_loop3A_146 = vector.extract_strided_slice %parallel_loop3A_145 {offsets = [0], sizes = [1], strides = [1]} : vector<16xf32> to vector<1xf32>
          %parallel_loop3A_147 = vector.extract %parallel_loop3A_146[0] : f32 from vector<1xf32>
          %parallel_loop3A_148 = arith.constant 0 : i32
          %parallel_loop3A_149 = arith.index_cast %parallel_loop3A_148 : i32 to index
          %parallel_loop3A_150 = arith.index_cast %parallel_loop3A_139 : i32 to index
          %parallel_loop3A_151 = arith.constant 0 : index
          %parallel_loop3A_152 = tpu.vector_load %arg11[%parallel_loop3A_149, %parallel_loop3A_150, %parallel_loop3A_151] {strides = array<i32>} : memref<2x128x128xf32, #tpu.memory_space<vmem>>, vector<1x1x16xf32>,
          %parallel_loop3A_153 = vector.shape_cast %parallel_loop3A_152 : vector<1x1x16xf32> to vector<16xf32>
          %parallel_loop3A_154 = vector.broadcast %parallel_loop3A_147 : f32 to vector<16xf32>
          %parallel_loop3A_155 = arith.mulf %parallel_loop3A_153, %parallel_loop3A_154 : vector<16xf32>
          %parallel_loop3A_156 = arith.constant 0 : i32
          %parallel_loop3A_157 = arith.index_cast %parallel_loop3A_156 : i32 to index
          %parallel_loop3A_158 = arith.index_cast %parallel_loop3A_139 : i32 to index
          %parallel_loop3A_159 = arith.constant 0 : index
          %parallel_loop3A_160 = tpu.vector_load %arg11[%parallel_loop3A_157, %parallel_loop3A_158, %parallel_loop3A_159] {strides = array<i32>} : memref<2x128x128xf32, #tpu.memory_space<vmem>>, vector<1x1x16xf32>,
          %parallel_loop3A_161 = vector.shape_cast %parallel_loop3A_160 : vector<1x1x16xf32> to vector<16xf32>
          %parallel_loop3A_162 = vector.shape_cast %parallel_loop3A_155 : vector<16xf32> to vector<1x1x16xf32>
          tpu.vector_store %arg11[%parallel_loop3A_157, %parallel_loop3A_158, %parallel_loop3A_159], %parallel_loop3A_162 {strides = array<i32>} : memref<2x128x128xf32, #tpu.memory_space<vmem>>, vector<1x1x16xf32>,
          %parallel_loop3A_163 = arith.constant 0 : i32
          %parallel_loop3A_164 = arith.index_cast %parallel_loop3A_163 : i32 to index
          %parallel_loop3A_165 = arith.index_cast %parallel_loop3A_139 : i32 to index
          %parallel_loop3A_166 = arith.constant 16 : index
          %parallel_loop3A_167 = tpu.vector_load %arg11[%parallel_loop3A_164, %parallel_loop3A_165, %parallel_loop3A_166] {strides = array<i32>} : memref<2x128x128xf32, #tpu.memory_space<vmem>>, vector<1x1x16xf32>,
          %parallel_loop3A_168 = vector.shape_cast %parallel_loop3A_167 : vector<1x1x16xf32> to vector<16xf32>
          %parallel_loop3A_169 = vector.broadcast %parallel_loop3A_147 : f32 to vector<16xf32>
          %parallel_loop3A_170 = arith.mulf %parallel_loop3A_168, %parallel_loop3A_169 : vector<16xf32>
          %parallel_loop3A_171 = arith.constant 0 : i32
          %parallel_loop3A_172 = arith.index_cast %parallel_loop3A_171 : i32 to index
          %parallel_loop3A_173 = arith.index_cast %parallel_loop3A_139 : i32 to index
          %parallel_loop3A_174 = arith.constant 16 : index
          %parallel_loop3A_175 = tpu.vector_load %arg11[%parallel_loop3A_172, %parallel_loop3A_173, %parallel_loop3A_174] {strides = array<i32>} : memref<2x128x128xf32, #tpu.memory_space<vmem>>, vector<1x1x16xf32>,
          %parallel_loop3A_176 = vector.shape_cast %parallel_loop3A_175 : vector<1x1x16xf32> to vector<16xf32>
          %parallel_loop3A_177 = vector.shape_cast %parallel_loop3A_170 : vector<16xf32> to vector<1x1x16xf32>
          tpu.vector_store %arg11[%parallel_loop3A_172, %parallel_loop3A_173, %parallel_loop3A_174], %parallel_loop3A_177 {strides = array<i32>} : memref<2x128x128xf32, #tpu.memory_space<vmem>>, vector<1x1x16xf32>,
          %parallel_loop3A_178 = arith.constant 0 : i32
          %parallel_loop3A_179 = arith.index_cast %parallel_loop3A_178 : i32 to index
          %parallel_loop3A_180 = arith.index_cast %parallel_loop3A_139 : i32 to index
          %parallel_loop3A_181 = arith.constant 32 : index
          %parallel_loop3A_182 = tpu.vector_load %arg11[%parallel_loop3A_179, %parallel_loop3A_180, %parallel_loop3A_181] {strides = array<i32>} : memref<2x128x128xf32, #tpu.memory_space<vmem>>, vector<1x1x16xf32>,
          %parallel_loop3A_183 = vector.shape_cast %parallel_loop3A_182 : vector<1x1x16xf32> to vector<16xf32>
          %parallel_loop3A_184 = vector.broadcast %parallel_loop3A_147 : f32 to vector<16xf32>
          %parallel_loop3A_185 = arith.mulf %parallel_loop3A_183, %parallel_loop3A_184 : vector<16xf32>
          %parallel_loop3A_186 = arith.constant 0 : i32
          %parallel_loop3A_187 = arith.index_cast %parallel_loop3A_186 : i32 to index
          %parallel_loop3A_188 = arith.index_cast %parallel_loop3A_139 : i32 to index
          %parallel_loop3A_189 = arith.constant 32 : index
          %parallel_loop3A_190 = tpu.vector_load %arg11[%parallel_loop3A_187, %parallel_loop3A_188, %parallel_loop3A_189] {strides = array<i32>} : memref<2x128x128xf32, #tpu.memory_space<vmem>>, vector<1x1x16xf32>,
          %parallel_loop3A_191 = vector.shape_cast %parallel_loop3A_190 : vector<1x1x16xf32> to vector<16xf32>
          %parallel_loop3A_192 = vector.shape_cast %parallel_loop3A_185 : vector<16xf32> to vector<1x1x16xf32>
          tpu.vector_store %arg11[%parallel_loop3A_187, %parallel_loop3A_188, %parallel_loop3A_189], %parallel_loop3A_192 {strides = array<i32>} : memref<2x128x128xf32, #tpu.memory_space<vmem>>, vector<1x1x16xf32>,
          %parallel_loop3A_193 = arith.constant 0 : i32
          %parallel_loop3A_194 = arith.index_cast %parallel_loop3A_193 : i32 to index
          %parallel_loop3A_195 = arith.index_cast %parallel_loop3A_139 : i32 to index
          %parallel_loop3A_196 = arith.constant 48 : index
          %parallel_loop3A_197 = tpu.vector_load %arg11[%parallel_loop3A_194, %parallel_loop3A_195, %parallel_loop3A_196] {strides = array<i32>} : memref<2x128x128xf32, #tpu.memory_space<vmem>>, vector<1x1x16xf32>,
          %parallel_loop3A_198 = vector.shape_cast %parallel_loop3A_197 : vector<1x1x16xf32> to vector<16xf32>
          %parallel_loop3A_199 = vector.broadcast %parallel_loop3A_147 : f32 to vector<16xf32>
          %parallel_loop3A_200 = arith.mulf %parallel_loop3A_198, %parallel_loop3A_199 : vector<16xf32>
          %parallel_loop3A_201 = arith.constant 0 : i32
          %parallel_loop3A_202 = arith.index_cast %parallel_loop3A_201 : i32 to index
          %parallel_loop3A_203 = arith.index_cast %parallel_loop3A_139 : i32 to index
          %parallel_loop3A_204 = arith.constant 48 : index
          %parallel_loop3A_205 = tpu.vector_load %arg11[%parallel_loop3A_202, %parallel_loop3A_203, %parallel_loop3A_204] {strides = array<i32>} : memref<2x128x128xf32, #tpu.memory_space<vmem>>, vector<1x1x16xf32>,
          %parallel_loop3A_206 = vector.shape_cast %parallel_loop3A_205 : vector<1x1x16xf32> to vector<16xf32>
          %parallel_loop3A_207 = vector.shape_cast %parallel_loop3A_200 : vector<16xf32> to vector<1x1x16xf32>
          tpu.vector_store %arg11[%parallel_loop3A_202, %parallel_loop3A_203, %parallel_loop3A_204], %parallel_loop3A_207 {strides = array<i32>} : memref<2x128x128xf32, #tpu.memory_space<vmem>>, vector<1x1x16xf32>,
          %parallel_loop3A_208 = arith.constant 0 : i32
          %parallel_loop3A_209 = arith.index_cast %parallel_loop3A_208 : i32 to index
          %parallel_loop3A_210 = arith.index_cast %parallel_loop3A_139 : i32 to index
          %parallel_loop3A_211 = arith.constant 64 : index
          %parallel_loop3A_212 = tpu.vector_load %arg11[%parallel_loop3A_209, %parallel_loop3A_210, %parallel_loop3A_211] {strides = array<i32>} : memref<2x128x128xf32, #tpu.memory_space<vmem>>, vector<1x1x16xf32>,
          %parallel_loop3A_213 = vector.shape_cast %parallel_loop3A_212 : vector<1x1x16xf32> to vector<16xf32>
          %parallel_loop3A_214 = vector.broadcast %parallel_loop3A_147 : f32 to vector<16xf32>
          %parallel_loop3A_215 = arith.mulf %parallel_loop3A_213, %parallel_loop3A_214 : vector<16xf32>
          %parallel_loop3A_216 = arith.constant 0 : i32
          %parallel_loop3A_217 = arith.index_cast %parallel_loop3A_216 : i32 to index
          %parallel_loop3A_218 = arith.index_cast %parallel_loop3A_139 : i32 to index
          %parallel_loop3A_219 = arith.constant 64 : index
          %parallel_loop3A_220 = tpu.vector_load %arg11[%parallel_loop3A_217, %parallel_loop3A_218, %parallel_loop3A_219] {strides = array<i32>} : memref<2x128x128xf32, #tpu.memory_space<vmem>>, vector<1x1x16xf32>,
          %parallel_loop3A_221 = vector.shape_cast %parallel_loop3A_220 : vector<1x1x16xf32> to vector<16xf32>
          %parallel_loop3A_222 = vector.shape_cast %parallel_loop3A_215 : vector<16xf32> to vector<1x1x16xf32>
          tpu.vector_store %arg11[%parallel_loop3A_217, %parallel_loop3A_218, %parallel_loop3A_219], %parallel_loop3A_222 {strides = array<i32>} : memref<2x128x128xf32, #tpu.memory_space<vmem>>, vector<1x1x16xf32>,
          %parallel_loop3A_223 = arith.constant 0 : i32
          %parallel_loop3A_224 = arith.index_cast %parallel_loop3A_223 : i32 to index
          %parallel_loop3A_225 = arith.index_cast %parallel_loop3A_139 : i32 to index
          %parallel_loop3A_226 = arith.constant 80 : index
          %parallel_loop3A_227 = tpu.vector_load %arg11[%parallel_loop3A_224, %parallel_loop3A_225, %parallel_loop3A_226] {strides = array<i32>} : memref<2x128x128xf32, #tpu.memory_space<vmem>>, vector<1x1x16xf32>,
          %parallel_loop3A_228 = vector.shape_cast %parallel_loop3A_227 : vector<1x1x16xf32> to vector<16xf32>
          %parallel_loop3A_229 = vector.broadcast %parallel_loop3A_147 : f32 to vector<16xf32>
          %parallel_loop3A_230 = arith.mulf %parallel_loop3A_228, %parallel_loop3A_229 : vector<16xf32>
          %parallel_loop3A_231 = arith.constant 0 : i32
          %parallel_loop3A_232 = arith.index_cast %parallel_loop3A_231 : i32 to index
          %parallel_loop3A_233 = arith.index_cast %parallel_loop3A_139 : i32 to index
          %parallel_loop3A_234 = arith.constant 80 : index
          %parallel_loop3A_235 = tpu.vector_load %arg11[%parallel_loop3A_232, %parallel_loop3A_233, %parallel_loop3A_234] {strides = array<i32>} : memref<2x128x128xf32, #tpu.memory_space<vmem>>, vector<1x1x16xf32>,
          %parallel_loop3A_236 = vector.shape_cast %parallel_loop3A_235 : vector<1x1x16xf32> to vector<16xf32>
          %parallel_loop3A_237 = vector.shape_cast %parallel_loop3A_230 : vector<16xf32> to vector<1x1x16xf32>
          tpu.vector_store %arg11[%parallel_loop3A_232, %parallel_loop3A_233, %parallel_loop3A_234], %parallel_loop3A_237 {strides = array<i32>} : memref<2x128x128xf32, #tpu.memory_space<vmem>>, vector<1x1x16xf32>,
          %parallel_loop3A_238 = arith.constant 0 : i32
          %parallel_loop3A_239 = arith.index_cast %parallel_loop3A_238 : i32 to index
          %parallel_loop3A_240 = arith.index_cast %parallel_loop3A_139 : i32 to index
          %parallel_loop3A_241 = arith.constant 96 : index
          %parallel_loop3A_242 = tpu.vector_load %arg11[%parallel_loop3A_239, %parallel_loop3A_240, %parallel_loop3A_241] {strides = array<i32>} : memref<2x128x128xf32, #tpu.memory_space<vmem>>, vector<1x1x16xf32>,
          %parallel_loop3A_243 = vector.shape_cast %parallel_loop3A_242 : vector<1x1x16xf32> to vector<16xf32>
          %parallel_loop3A_244 = vector.broadcast %parallel_loop3A_147 : f32 to vector<16xf32>
          %parallel_loop3A_245 = arith.mulf %parallel_loop3A_243, %parallel_loop3A_244 : vector<16xf32>
          %parallel_loop3A_246 = arith.constant 0 : i32
          %parallel_loop3A_247 = arith.index_cast %parallel_loop3A_246 : i32 to index
          %parallel_loop3A_248 = arith.index_cast %parallel_loop3A_139 : i32 to index
          %parallel_loop3A_249 = arith.constant 96 : index
          %parallel_loop3A_250 = tpu.vector_load %arg11[%parallel_loop3A_247, %parallel_loop3A_248, %parallel_loop3A_249] {strides = array<i32>} : memref<2x128x128xf32, #tpu.memory_space<vmem>>, vector<1x1x16xf32>,
          %parallel_loop3A_251 = vector.shape_cast %parallel_loop3A_250 : vector<1x1x16xf32> to vector<16xf32>
          %parallel_loop3A_252 = vector.shape_cast %parallel_loop3A_245 : vector<16xf32> to vector<1x1x16xf32>
          tpu.vector_store %arg11[%parallel_loop3A_247, %parallel_loop3A_248, %parallel_loop3A_249], %parallel_loop3A_252 {strides = array<i32>} : memref<2x128x128xf32, #tpu.memory_space<vmem>>, vector<1x1x16xf32>,
          %parallel_loop3A_253 = arith.constant 0 : i32
          %parallel_loop3A_254 = arith.index_cast %parallel_loop3A_253 : i32 to index
          %parallel_loop3A_255 = arith.index_cast %parallel_loop3A_139 : i32 to index
          %parallel_loop3A_256 = arith.constant 112 : index
          %parallel_loop3A_257 = tpu.vector_load %arg11[%parallel_loop3A_254, %parallel_loop3A_255, %parallel_loop3A_256] {strides = array<i32>} : memref<2x128x128xf32, #tpu.memory_space<vmem>>, vector<1x1x16xf32>,
          %parallel_loop3A_258 = vector.shape_cast %parallel_loop3A_257 : vector<1x1x16xf32> to vector<16xf32>
          %parallel_loop3A_259 = vector.broadcast %parallel_loop3A_147 : f32 to vector<16xf32>
          %parallel_loop3A_260 = arith.mulf %parallel_loop3A_258, %parallel_loop3A_259 : vector<16xf32>
          %parallel_loop3A_261 = arith.constant 0 : i32
          %parallel_loop3A_262 = arith.index_cast %parallel_loop3A_261 : i32 to index
          %parallel_loop3A_263 = arith.index_cast %parallel_loop3A_139 : i32 to index
          %parallel_loop3A_264 = arith.constant 112 : index
          %parallel_loop3A_265 = tpu.vector_load %arg11[%parallel_loop3A_262, %parallel_loop3A_263, %parallel_loop3A_264] {strides = array<i32>} : memref<2x128x128xf32, #tpu.memory_space<vmem>>, vector<1x1x16xf32>,
          %parallel_loop3A_266 = vector.shape_cast %parallel_loop3A_265 : vector<1x1x16xf32> to vector<16xf32>
          %parallel_loop3A_267 = vector.shape_cast %parallel_loop3A_260 : vector<16xf32> to vector<1x1x16xf32>
          tpu.vector_store %arg11[%parallel_loop3A_262, %parallel_loop3A_263, %parallel_loop3A_264], %parallel_loop3A_267 {strides = array<i32>} : memref<2x128x128xf32, #tpu.memory_space<vmem>>, vector<1x1x16xf32>,
        } {sc.loop_unroll_factor = 4 : i64, sc.parallel_access}
        %dma_start3A_85 = arith.constant 0 : i32
        %dma_start3A_86 = arith.constant 0 : i32
        %dma_start3A_87 = arith.constant 0 : i32
        %dma_start3A_88 = arith.constant 0 : i32
        %dma_start3A_89 = tpu.memref_slice %arg11[%dma_start3A_85, %dma_start3A_87, %dma_start3A_88] : memref<2x128x128xf32, #tpu.memory_space<vmem>> -> memref<1x128x128xf32, #tpu.memory_space<vmem>>
        %dma_start3A_90 = tpu.memref_squeeze %dma_start3A_89 : memref<1x128x128xf32, #tpu.memory_space<vmem>> -> memref<128x128xf32, #tpu.memory_space<vmem>>
        %dma_start3A_91 = arith.constant 0 : i32
        %dma_start3A_92 = tpu.memref_slice %arg9[%mul3A_58, %dma_start3A_86, %dma_start3A_91] : memref<20x1x128xi32, #tpu.memory_space<vmem>> -> memref<1x1x128xi32, #tpu.memory_space<vmem>>
        %dma_start3A_93 = tpu.memref_squeeze %dma_start3A_92 : memref<1x1x128xi32, #tpu.memory_space<vmem>> -> memref<128xi32, #tpu.memory_space<vmem>>
        %dma_start3A_94 = arith.constant 0 : i32
        %dma_start3A_95 = arith.constant 0 : i32
        %dma_start3A_96 = tpu.memref_slice %arg12[%dma_start3A_94, %dma_start3A_95] : memref<10000x128xf32, #tpu.memory_space<vmem_shared>> -> memref<10000x128xf32, #tpu.memory_space<vmem_shared>>
        tpu.enqueue_indirect_dma source(%dma_start3A_90 : memref<128x128xf32, #tpu.memory_space<vmem>>) target(%dma_start3A_96 : memref<10000x128xf32, #tpu.memory_space<vmem_shared>>) offsets(%dma_start3A_93 : memref<128xi32, #tpu.memory_space<vmem>>) semaphore(%arg15 : memref<!tpu.dma_semaphore, #tpu.memory_space<semaphore_mem>>) {add = true}
        %add3A_97 = arith.constant 1 : i32
        %add3A_98 = arith.addi %mul3A_58, %add3A_97 : i32
        %not3A_99 = arith.constant false
        %not3A_100 = arith.constant true
        %not3A_101 = arith.xori %not3A_99, %not3A_100 : i1
        %convert_element_type3A_102 = arith.extui %not3A_101 : i1 to i32
        %cond3A_103 = arith.constant 0 : i32
        %cond3A_104 = arith.cmpi ne, %convert_element_type3A_102, %cond3A_103 : i32
        scf.if %cond3A_104 {
          %dma_wait3A_139 = arith.constant 0 : i32
          %dma_wait3A_140 = arith.constant 0 : i32
          %dma_wait3A_141 = arith.constant 0 : i32
          %dma_wait3A_142 = arith.constant 0 : i32
          %dma_wait3A_143 = tpu.memref_slice %arg11[%dma_wait3A_139, %dma_wait3A_141, %dma_wait3A_142] : memref<2x128x128xf32, #tpu.memory_space<vmem>> -> memref<1x128x128xf32, #tpu.memory_space<vmem>>
          %dma_wait3A_144 = tpu.memref_squeeze %dma_wait3A_143 : memref<1x128x128xf32, #tpu.memory_space<vmem>> -> memref<128x128xf32, #tpu.memory_space<vmem>>
          %dma_wait3A_145 = arith.constant 0 : i32
          %dma_wait3A_146 = tpu.memref_slice %arg9[%add3A_98, %dma_wait3A_140, %dma_wait3A_145] : memref<20x1x128xi32, #tpu.memory_space<vmem>> -> memref<1x1x128xi32, #tpu.memory_space<vmem>>
          %dma_wait3A_147 = tpu.memref_squeeze %dma_wait3A_146 : memref<1x1x128xi32, #tpu.memory_space<vmem>> -> memref<128xi32, #tpu.memory_space<vmem>>
          %dma_wait3A_148 = arith.constant 0 : i32
          %dma_wait3A_149 = arith.constant 0 : i32
          %dma_wait3A_150 = tpu.memref_slice %arg12[%dma_wait3A_148, %dma_wait3A_149] : memref<10000x128xf32, #tpu.memory_space<vmem_shared>> -> memref<10000x128xf32, #tpu.memory_space<vmem_shared>>
          tpu.wait_indirect_dma semaphore(%arg15 : memref<!tpu.dma_semaphore, #tpu.memory_space<semaphore_mem>>) src(%dma_wait3A_144 : memref<128x128xf32, #tpu.memory_space<vmem>>) dst(%dma_wait3A_150 : memref<10000x128xf32, #tpu.memory_space<vmem_shared>>)
        } else {
        }
        %add3A_105 = arith.constant 1 : i32
        %add3A_106 = arith.addi %add3A_98, %add3A_105 : i32
        %lt3A_107 = arith.constant 20 : i32
        %lt3A_108 = arith.cmpi slt, %add3A_106, %lt3A_107 : i32
        %convert_element_type3A_109 = arith.extui %lt3A_108 : i1 to i32
        %cond3A_110 = arith.constant 0 : i32
        %cond3A_111 = arith.cmpi ne, %convert_element_type3A_109, %cond3A_110 : i32
        scf.if %cond3A_111 {
          %add3A_139 = arith.constant 1 : i32
          %add3A_140 = arith.addi %add3A_98, %add3A_139 : i32
          %dma_start3A_141 = arith.constant 0 : i32
          %dma_start3A_142 = arith.constant 0 : i32
          %dma_start3A_143 = arith.constant 0 : i32
          %dma_start3A_144 = arith.constant 0 : i32
          %dma_start3A_145 = tpu.memref_slice %arg11[%dma_start3A_142, %dma_start3A_143, %dma_start3A_144] : memref<2x128x128xf32, #tpu.memory_space<vmem>> -> memref<1x128x128xf32, #tpu.memory_space<vmem>>
          %dma_start3A_146 = tpu.memref_squeeze %dma_start3A_145 : memref<1x128x128xf32, #tpu.memory_space<vmem>> -> memref<128x128xf32, #tpu.memory_space<vmem>>
          %dma_start3A_147 = arith.constant 0 : i32
          %dma_start3A_148 = tpu.memref_slice %arg8[%add3A_140, %dma_start3A_141, %dma_start3A_147] : memref<20x1x128xi32, #tpu.memory_space<vmem>> -> memref<1x1x128xi32, #tpu.memory_space<vmem>>
          %dma_start3A_149 = tpu.memref_squeeze %dma_start3A_148 : memref<1x1x128xi32, #tpu.memory_space<vmem>> -> memref<128xi32, #tpu.memory_space<vmem>>
          %dma_start3A_150 = arith.constant 0 : i32
          %dma_start3A_151 = arith.constant 0 : i32
          %dma_start3A_152 = tpu.memref_slice %arg2[%dma_start3A_150, %dma_start3A_151] : memref<10000x128xf32, #tpu.memory_space<hbm>> -> memref<10000x128xf32, #tpu.memory_space<hbm>>
          tpu.enqueue_indirect_dma source(%dma_start3A_152 : memref<10000x128xf32, #tpu.memory_space<hbm>>) target(%dma_start3A_146 : memref<128x128xf32, #tpu.memory_space<vmem>>) offsets(%dma_start3A_149 : memref<128xi32, #tpu.memory_space<vmem>>) semaphore(%arg13 : memref<!tpu.dma_semaphore, #tpu.memory_space<semaphore_mem>>)
        } else {
        }
        %dma_wait3A_112 = arith.constant 0 : i32
        %dma_wait3A_113 = arith.constant 1 : i32
        %dma_wait3A_114 = arith.constant 0 : i32
        %dma_wait3A_115 = arith.constant 0 : i32
        %dma_wait3A_116 = tpu.memref_slice %arg11[%dma_wait3A_113, %dma_wait3A_114, %dma_wait3A_115] : memref<2x128x128xf32, #tpu.memory_space<vmem>> -> memref<1x128x128xf32, #tpu.memory_space<vmem>>
        %dma_wait3A_117 = tpu.memref_squeeze %dma_wait3A_116 : memref<1x128x128xf32, #tpu.memory_space<vmem>> -> memref<128x128xf32, #tpu.memory_space<vmem>>
        %dma_wait3A_118 = arith.constant 0 : i32
        %dma_wait3A_119 = tpu.memref_slice %arg8[%add3A_98, %dma_wait3A_112, %dma_wait3A_118] : memref<20x1x128xi32, #tpu.memory_space<vmem>> -> memref<1x1x128xi32, #tpu.memory_space<vmem>>
        %dma_wait3A_120 = tpu.memref_squeeze %dma_wait3A_119 : memref<1x1x128xi32, #tpu.memory_space<vmem>> -> memref<128xi32, #tpu.memory_space<vmem>>
        %dma_wait3A_121 = arith.constant 0 : i32
        %dma_wait3A_122 = arith.constant 0 : i32
        %dma_wait3A_123 = tpu.memref_slice %arg2[%dma_wait3A_121, %dma_wait3A_122] : memref<10000x128xf32, #tpu.memory_space<hbm>> -> memref<10000x128xf32, #tpu.memory_space<hbm>>
        tpu.wait_indirect_dma semaphore(%arg14 : memref<!tpu.dma_semaphore, #tpu.memory_space<semaphore_mem>>) src(%dma_wait3A_123 : memref<10000x128xf32, #tpu.memory_space<hbm>>) dst(%dma_wait3A_117 : memref<128x128xf32, #tpu.memory_space<vmem>>)
        %parallel_loop3A_124 = arith.constant 0 : i32
        %parallel_loop3A_125 = arith.constant 128 : i32
        %parallel_loop3A_126 = arith.constant 1 : i32
        scf.for %parallel_loop3A_139 = %parallel_loop3A_124 to %parallel_loop3A_125 step %parallel_loop3A_126  : i32 {
          %parallel_loop3A_140 = arith.constant 0 : i32
          %parallel_loop3A_141 = arith.index_cast %add3A_98 : i32 to index
          %parallel_loop3A_142 = arith.index_cast %parallel_loop3A_140 : i32 to index
          %parallel_loop3A_143 = arith.index_cast %parallel_loop3A_139 : i32 to index
          %parallel_loop3A_144 = tpu.vector_load %arg10[%parallel_loop3A_141, %parallel_loop3A_142, %parallel_loop3A_143] {strides = array<i32>} : memref<20x1x144xf32, #tpu.memory_space<vmem>>, vector<1x1x16xf32>,
          %parallel_loop3A_145 = vector.shape_cast %parallel_loop3A_144 : vector<1x1x16xf32> to vector<16xf32>
          %parallel_loop3A_146 = vector.extract_strided_slice %parallel_loop3A_145 {offsets = [0], sizes = [1], strides = [1]} : vector<16xf32> to vector<1xf32>
          %parallel_loop3A_147 = vector.extract %parallel_loop3A_146[0] : f32 from vector<1xf32>
          %parallel_loop3A_148 = arith.constant 1 : i32
          %parallel_loop3A_149 = arith.index_cast %parallel_loop3A_148 : i32 to index
          %parallel_loop3A_150 = arith.index_cast %parallel_loop3A_139 : i32 to index
          %parallel_loop3A_151 = arith.constant 0 : index
          %parallel_loop3A_152 = tpu.vector_load %arg11[%parallel_loop3A_149, %parallel_loop3A_150, %parallel_loop3A_151] {strides = array<i32>} : memref<2x128x128xf32, #tpu.memory_space<vmem>>, vector<1x1x16xf32>,
          %parallel_loop3A_153 = vector.shape_cast %parallel_loop3A_152 : vector<1x1x16xf32> to vector<16xf32>
          %parallel_loop3A_154 = vector.broadcast %parallel_loop3A_147 : f32 to vector<16xf32>
          %parallel_loop3A_155 = arith.mulf %parallel_loop3A_153, %parallel_loop3A_154 : vector<16xf32>
          %parallel_loop3A_156 = arith.constant 1 : i32
          %parallel_loop3A_157 = arith.index_cast %parallel_loop3A_156 : i32 to index
          %parallel_loop3A_158 = arith.index_cast %parallel_loop3A_139 : i32 to index
          %parallel_loop3A_159 = arith.constant 0 : index
          %parallel_loop3A_160 = tpu.vector_load %arg11[%parallel_loop3A_157, %parallel_loop3A_158, %parallel_loop3A_159] {strides = array<i32>} : memref<2x128x128xf32, #tpu.memory_space<vmem>>, vector<1x1x16xf32>,
          %parallel_loop3A_161 = vector.shape_cast %parallel_loop3A_160 : vector<1x1x16xf32> to vector<16xf32>
          %parallel_loop3A_162 = vector.shape_cast %parallel_loop3A_155 : vector<16xf32> to vector<1x1x16xf32>
          tpu.vector_store %arg11[%parallel_loop3A_157, %parallel_loop3A_158, %parallel_loop3A_159], %parallel_loop3A_162 {strides = array<i32>} : memref<2x128x128xf32, #tpu.memory_space<vmem>>, vector<1x1x16xf32>,
          %parallel_loop3A_163 = arith.constant 1 : i32
          %parallel_loop3A_164 = arith.index_cast %parallel_loop3A_163 : i32 to index
          %parallel_loop3A_165 = arith.index_cast %parallel_loop3A_139 : i32 to index
          %parallel_loop3A_166 = arith.constant 16 : index
          %parallel_loop3A_167 = tpu.vector_load %arg11[%parallel_loop3A_164, %parallel_loop3A_165, %parallel_loop3A_166] {strides = array<i32>} : memref<2x128x128xf32, #tpu.memory_space<vmem>>, vector<1x1x16xf32>,
          %parallel_loop3A_168 = vector.shape_cast %parallel_loop3A_167 : vector<1x1x16xf32> to vector<16xf32>
          %parallel_loop3A_169 = vector.broadcast %parallel_loop3A_147 : f32 to vector<16xf32>
          %parallel_loop3A_170 = arith.mulf %parallel_loop3A_168, %parallel_loop3A_169 : vector<16xf32>
          %parallel_loop3A_171 = arith.constant 1 : i32
          %parallel_loop3A_172 = arith.index_cast %parallel_loop3A_171 : i32 to index
          %parallel_loop3A_173 = arith.index_cast %parallel_loop3A_139 : i32 to index
          %parallel_loop3A_174 = arith.constant 16 : index
          %parallel_loop3A_175 = tpu.vector_load %arg11[%parallel_loop3A_172, %parallel_loop3A_173, %parallel_loop3A_174] {strides = array<i32>} : memref<2x128x128xf32, #tpu.memory_space<vmem>>, vector<1x1x16xf32>,
          %parallel_loop3A_176 = vector.shape_cast %parallel_loop3A_175 : vector<1x1x16xf32> to vector<16xf32>
          %parallel_loop3A_177 = vector.shape_cast %parallel_loop3A_170 : vector<16xf32> to vector<1x1x16xf32>
          tpu.vector_store %arg11[%parallel_loop3A_172, %parallel_loop3A_173, %parallel_loop3A_174], %parallel_loop3A_177 {strides = array<i32>} : memref<2x128x128xf32, #tpu.memory_space<vmem>>, vector<1x1x16xf32>,
          %parallel_loop3A_178 = arith.constant 1 : i32
          %parallel_loop3A_179 = arith.index_cast %parallel_loop3A_178 : i32 to index
          %parallel_loop3A_180 = arith.index_cast %parallel_loop3A_139 : i32 to index
          %parallel_loop3A_181 = arith.constant 32 : index
          %parallel_loop3A_182 = tpu.vector_load %arg11[%parallel_loop3A_179, %parallel_loop3A_180, %parallel_loop3A_181] {strides = array<i32>} : memref<2x128x128xf32, #tpu.memory_space<vmem>>, vector<1x1x16xf32>,
          %parallel_loop3A_183 = vector.shape_cast %parallel_loop3A_182 : vector<1x1x16xf32> to vector<16xf32>
          %parallel_loop3A_184 = vector.broadcast %parallel_loop3A_147 : f32 to vector<16xf32>
          %parallel_loop3A_185 = arith.mulf %parallel_loop3A_183, %parallel_loop3A_184 : vector<16xf32>
          %parallel_loop3A_186 = arith.constant 1 : i32
          %parallel_loop3A_187 = arith.index_cast %parallel_loop3A_186 : i32 to index
          %parallel_loop3A_188 = arith.index_cast %parallel_loop3A_139 : i32 to index
          %parallel_loop3A_189 = arith.constant 32 : index
          %parallel_loop3A_190 = tpu.vector_load %arg11[%parallel_loop3A_187, %parallel_loop3A_188, %parallel_loop3A_189] {strides = array<i32>} : memref<2x128x128xf32, #tpu.memory_space<vmem>>, vector<1x1x16xf32>,
          %parallel_loop3A_191 = vector.shape_cast %parallel_loop3A_190 : vector<1x1x16xf32> to vector<16xf32>
          %parallel_loop3A_192 = vector.shape_cast %parallel_loop3A_185 : vector<16xf32> to vector<1x1x16xf32>
          tpu.vector_store %arg11[%parallel_loop3A_187, %parallel_loop3A_188, %parallel_loop3A_189], %parallel_loop3A_192 {strides = array<i32>} : memref<2x128x128xf32, #tpu.memory_space<vmem>>, vector<1x1x16xf32>,
          %parallel_loop3A_193 = arith.constant 1 : i32
          %parallel_loop3A_194 = arith.index_cast %parallel_loop3A_193 : i32 to index
          %parallel_loop3A_195 = arith.index_cast %parallel_loop3A_139 : i32 to index
          %parallel_loop3A_196 = arith.constant 48 : index
          %parallel_loop3A_197 = tpu.vector_load %arg11[%parallel_loop3A_194, %parallel_loop3A_195, %parallel_loop3A_196] {strides = array<i32>} : memref<2x128x128xf32, #tpu.memory_space<vmem>>, vector<1x1x16xf32>,
          %parallel_loop3A_198 = vector.shape_cast %parallel_loop3A_197 : vector<1x1x16xf32> to vector<16xf32>
          %parallel_loop3A_199 = vector.broadcast %parallel_loop3A_147 : f32 to vector<16xf32>
          %parallel_loop3A_200 = arith.mulf %parallel_loop3A_198, %parallel_loop3A_199 : vector<16xf32>
          %parallel_loop3A_201 = arith.constant 1 : i32
          %parallel_loop3A_202 = arith.index_cast %parallel_loop3A_201 : i32 to index
          %parallel_loop3A_203 = arith.index_cast %parallel_loop3A_139 : i32 to index
          %parallel_loop3A_204 = arith.constant 48 : index
          %parallel_loop3A_205 = tpu.vector_load %arg11[%parallel_loop3A_202, %parallel_loop3A_203, %parallel_loop3A_204] {strides = array<i32>} : memref<2x128x128xf32, #tpu.memory_space<vmem>>, vector<1x1x16xf32>,
          %parallel_loop3A_206 = vector.shape_cast %parallel_loop3A_205 : vector<1x1x16xf32> to vector<16xf32>
          %parallel_loop3A_207 = vector.shape_cast %parallel_loop3A_200 : vector<16xf32> to vector<1x1x16xf32>
          tpu.vector_store %arg11[%parallel_loop3A_202, %parallel_loop3A_203, %parallel_loop3A_204], %parallel_loop3A_207 {strides = array<i32>} : memref<2x128x128xf32, #tpu.memory_space<vmem>>, vector<1x1x16xf32>,
          %parallel_loop3A_208 = arith.constant 1 : i32
          %parallel_loop3A_209 = arith.index_cast %parallel_loop3A_208 : i32 to index
          %parallel_loop3A_210 = arith.index_cast %parallel_loop3A_139 : i32 to index
          %parallel_loop3A_211 = arith.constant 64 : index
          %parallel_loop3A_212 = tpu.vector_load %arg11[%parallel_loop3A_209, %parallel_loop3A_210, %parallel_loop3A_211] {strides = array<i32>} : memref<2x128x128xf32, #tpu.memory_space<vmem>>, vector<1x1x16xf32>,
          %parallel_loop3A_213 = vector.shape_cast %parallel_loop3A_212 : vector<1x1x16xf32> to vector<16xf32>
          %parallel_loop3A_214 = vector.broadcast %parallel_loop3A_147 : f32 to vector<16xf32>
          %parallel_loop3A_215 = arith.mulf %parallel_loop3A_213, %parallel_loop3A_214 : vector<16xf32>
          %parallel_loop3A_216 = arith.constant 1 : i32
          %parallel_loop3A_217 = arith.index_cast %parallel_loop3A_216 : i32 to index
          %parallel_loop3A_218 = arith.index_cast %parallel_loop3A_139 : i32 to index
          %parallel_loop3A_219 = arith.constant 64 : index
          %parallel_loop3A_220 = tpu.vector_load %arg11[%parallel_loop3A_217, %parallel_loop3A_218, %parallel_loop3A_219] {strides = array<i32>} : memref<2x128x128xf32, #tpu.memory_space<vmem>>, vector<1x1x16xf32>,
          %parallel_loop3A_221 = vector.shape_cast %parallel_loop3A_220 : vector<1x1x16xf32> to vector<16xf32>
          %parallel_loop3A_222 = vector.shape_cast %parallel_loop3A_215 : vector<16xf32> to vector<1x1x16xf32>
          tpu.vector_store %arg11[%parallel_loop3A_217, %parallel_loop3A_218, %parallel_loop3A_219], %parallel_loop3A_222 {strides = array<i32>} : memref<2x128x128xf32, #tpu.memory_space<vmem>>, vector<1x1x16xf32>,
          %parallel_loop3A_223 = arith.constant 1 : i32
          %parallel_loop3A_224 = arith.index_cast %parallel_loop3A_223 : i32 to index
          %parallel_loop3A_225 = arith.index_cast %parallel_loop3A_139 : i32 to index
          %parallel_loop3A_226 = arith.constant 80 : index
          %parallel_loop3A_227 = tpu.vector_load %arg11[%parallel_loop3A_224, %parallel_loop3A_225, %parallel_loop3A_226] {strides = array<i32>} : memref<2x128x128xf32, #tpu.memory_space<vmem>>, vector<1x1x16xf32>,
          %parallel_loop3A_228 = vector.shape_cast %parallel_loop3A_227 : vector<1x1x16xf32> to vector<16xf32>
          %parallel_loop3A_229 = vector.broadcast %parallel_loop3A_147 : f32 to vector<16xf32>
          %parallel_loop3A_230 = arith.mulf %parallel_loop3A_228, %parallel_loop3A_229 : vector<16xf32>
          %parallel_loop3A_231 = arith.constant 1 : i32
          %parallel_loop3A_232 = arith.index_cast %parallel_loop3A_231 : i32 to index
          %parallel_loop3A_233 = arith.index_cast %parallel_loop3A_139 : i32 to index
          %parallel_loop3A_234 = arith.constant 80 : index
          %parallel_loop3A_235 = tpu.vector_load %arg11[%parallel_loop3A_232, %parallel_loop3A_233, %parallel_loop3A_234] {strides = array<i32>} : memref<2x128x128xf32, #tpu.memory_space<vmem>>, vector<1x1x16xf32>,
          %parallel_loop3A_236 = vector.shape_cast %parallel_loop3A_235 : vector<1x1x16xf32> to vector<16xf32>
          %parallel_loop3A_237 = vector.shape_cast %parallel_loop3A_230 : vector<16xf32> to vector<1x1x16xf32>
          tpu.vector_store %arg11[%parallel_loop3A_232, %parallel_loop3A_233, %parallel_loop3A_234], %parallel_loop3A_237 {strides = array<i32>} : memref<2x128x128xf32, #tpu.memory_space<vmem>>, vector<1x1x16xf32>,
          %parallel_loop3A_238 = arith.constant 1 : i32
          %parallel_loop3A_239 = arith.index_cast %parallel_loop3A_238 : i32 to index
          %parallel_loop3A_240 = arith.index_cast %parallel_loop3A_139 : i32 to index
          %parallel_loop3A_241 = arith.constant 96 : index
          %parallel_loop3A_242 = tpu.vector_load %arg11[%parallel_loop3A_239, %parallel_loop3A_240, %parallel_loop3A_241] {strides = array<i32>} : memref<2x128x128xf32, #tpu.memory_space<vmem>>, vector<1x1x16xf32>,
          %parallel_loop3A_243 = vector.shape_cast %parallel_loop3A_242 : vector<1x1x16xf32> to vector<16xf32>
          %parallel_loop3A_244 = vector.broadcast %parallel_loop3A_147 : f32 to vector<16xf32>
          %parallel_loop3A_245 = arith.mulf %parallel_loop3A_243, %parallel_loop3A_244 : vector<16xf32>
          %parallel_loop3A_246 = arith.constant 1 : i32
          %parallel_loop3A_247 = arith.index_cast %parallel_loop3A_246 : i32 to index
          %parallel_loop3A_248 = arith.index_cast %parallel_loop3A_139 : i32 to index
          %parallel_loop3A_249 = arith.constant 96 : index
          %parallel_loop3A_250 = tpu.vector_load %arg11[%parallel_loop3A_247, %parallel_loop3A_248, %parallel_loop3A_249] {strides = array<i32>} : memref<2x128x128xf32, #tpu.memory_space<vmem>>, vector<1x1x16xf32>,
          %parallel_loop3A_251 = vector.shape_cast %parallel_loop3A_250 : vector<1x1x16xf32> to vector<16xf32>
          %parallel_loop3A_252 = vector.shape_cast %parallel_loop3A_245 : vector<16xf32> to vector<1x1x16xf32>
          tpu.vector_store %arg11[%parallel_loop3A_247, %parallel_loop3A_248, %parallel_loop3A_249], %parallel_loop3A_252 {strides = array<i32>} : memref<2x128x128xf32, #tpu.memory_space<vmem>>, vector<1x1x16xf32>,
          %parallel_loop3A_253 = arith.constant 1 : i32
          %parallel_loop3A_254 = arith.index_cast %parallel_loop3A_253 : i32 to index
          %parallel_loop3A_255 = arith.index_cast %parallel_loop3A_139 : i32 to index
          %parallel_loop3A_256 = arith.constant 112 : index
          %parallel_loop3A_257 = tpu.vector_load %arg11[%parallel_loop3A_254, %parallel_loop3A_255, %parallel_loop3A_256] {strides = array<i32>} : memref<2x128x128xf32, #tpu.memory_space<vmem>>, vector<1x1x16xf32>,
          %parallel_loop3A_258 = vector.shape_cast %parallel_loop3A_257 : vector<1x1x16xf32> to vector<16xf32>
          %parallel_loop3A_259 = vector.broadcast %parallel_loop3A_147 : f32 to vector<16xf32>
          %parallel_loop3A_260 = arith.mulf %parallel_loop3A_258, %parallel_loop3A_259 : vector<16xf32>
          %parallel_loop3A_261 = arith.constant 1 : i32
          %parallel_loop3A_262 = arith.index_cast %parallel_loop3A_261 : i32 to index
          %parallel_loop3A_263 = arith.index_cast %parallel_loop3A_139 : i32 to index
          %parallel_loop3A_264 = arith.constant 112 : index
          %parallel_loop3A_265 = tpu.vector_load %arg11[%parallel_loop3A_262, %parallel_loop3A_263, %parallel_loop3A_264] {strides = array<i32>} : memref<2x128x128xf32, #tpu.memory_space<vmem>>, vector<1x1x16xf32>,
          %parallel_loop3A_266 = vector.shape_cast %parallel_loop3A_265 : vector<1x1x16xf32> to vector<16xf32>
          %parallel_loop3A_267 = vector.shape_cast %parallel_loop3A_260 : vector<16xf32> to vector<1x1x16xf32>
          tpu.vector_store %arg11[%parallel_loop3A_262, %parallel_loop3A_263, %parallel_loop3A_264], %parallel_loop3A_267 {strides = array<i32>} : memref<2x128x128xf32, #tpu.memory_space<vmem>>, vector<1x1x16xf32>,
        } {sc.loop_unroll_factor = 4 : i64, sc.parallel_access}
        %dma_start3A_127 = arith.constant 1 : i32
        %dma_start3A_128 = arith.constant 0 : i32
        %dma_start3A_129 = arith.constant 0 : i32
        %dma_start3A_130 = arith.constant 0 : i32
        %dma_start3A_131 = tpu.memref_slice %arg11[%dma_start3A_127, %dma_start3A_129, %dma_start3A_130] : memref<2x128x128xf32, #tpu.memory_space<vmem>> -> memref<1x128x128xf32, #tpu.memory_space<vmem>>
        %dma_start3A_132 = tpu.memref_squeeze %dma_start3A_131 : memref<1x128x128xf32, #tpu.memory_space<vmem>> -> memref<128x128xf32, #tpu.memory_space<vmem>>
        %dma_start3A_133 = arith.constant 0 : i32
        %dma_start3A_134 = tpu.memref_slice %arg9[%add3A_98, %dma_start3A_128, %dma_start3A_133] : memref<20x1x128xi32, #tpu.memory_space<vmem>> -> memref<1x1x128xi32, #tpu.memory_space<vmem>>
        %dma_start3A_135 = tpu.memref_squeeze %dma_start3A_134 : memref<1x1x128xi32, #tpu.memory_space<vmem>> -> memref<128xi32, #tpu.memory_space<vmem>>
        %dma_start3A_136 = arith.constant 0 : i32
        %dma_start3A_137 = arith.constant 0 : i32
        %dma_start3A_138 = tpu.memref_slice %arg12[%dma_start3A_136, %dma_start3A_137] : memref<10000x128xf32, #tpu.memory_space<vmem_shared>> -> memref<10000x128xf32, #tpu.memory_space<vmem_shared>>
        tpu.enqueue_indirect_dma source(%dma_start3A_132 : memref<128x128xf32, #tpu.memory_space<vmem>>) target(%dma_start3A_138 : memref<10000x128xf32, #tpu.memory_space<vmem_shared>>) offsets(%dma_start3A_135 : memref<128xi32, #tpu.memory_space<vmem>>) semaphore(%arg15 : memref<!tpu.dma_semaphore, #tpu.memory_space<semaphore_mem>>) {add = true}
      }
      %scan3A_43 = arith.constant 10 : i32
      %dma_wait3A = arith.constant 1 : i32
      %dma_wait3A_44 = arith.constant 19 : i32
      %dma_wait3A_45 = arith.constant 0 : i32
      %dma_wait3A_46 = arith.constant 0 : i32
      %dma_wait3A_47 = arith.constant 0 : i32
      %dma_wait3A_48 = tpu.memref_slice %arg11[%dma_wait3A, %dma_wait3A_46, %dma_wait3A_47] : memref<2x128x128xf32, #tpu.memory_space<vmem>> -> memref<1x128x128xf32, #tpu.memory_space<vmem>>
      %dma_wait3A_49 = tpu.memref_squeeze %dma_wait3A_48 : memref<1x128x128xf32, #tpu.memory_space<vmem>> -> memref<128x128xf32, #tpu.memory_space<vmem>>
      %dma_wait3A_50 = arith.constant 0 : i32
      %dma_wait3A_51 = tpu.memref_slice %arg9[%dma_wait3A_44, %dma_wait3A_45, %dma_wait3A_50] : memref<20x1x128xi32, #tpu.memory_space<vmem>> -> memref<1x1x128xi32, #tpu.memory_space<vmem>>
      %dma_wait3A_52 = tpu.memref_squeeze %dma_wait3A_51 : memref<1x1x128xi32, #tpu.memory_space<vmem>> -> memref<128xi32, #tpu.memory_space<vmem>>
      %dma_wait3A_53 = arith.constant 0 : i32
      %dma_wait3A_54 = arith.constant 0 : i32
      %dma_wait3A_55 = tpu.memref_slice %arg12[%dma_wait3A_53, %dma_wait3A_54] : memref<10000x128xf32, #tpu.memory_space<vmem_shared>> -> memref<10000x128xf32, #tpu.memory_space<vmem_shared>>
      tpu.wait_indirect_dma semaphore(%arg15 : memref<!tpu.dma_semaphore, #tpu.memory_space<semaphore_mem>>) src(%dma_wait3A_49 : memref<128x128xf32, #tpu.memory_space<vmem>>) dst(%dma_wait3A_55 : memref<10000x128xf32, #tpu.memory_space<vmem_shared>>)
    }
    %scan3A_11 = arith.constant 4 : i32
    %barrier3A_12 = arith.constant 0 : index
    tpu.barrier barrier_id(%barrier3A_12)
    %mul3A_13 = arith.constant 624 : i32
    %mul3A_14 = arith.muli %arg1, %mul3A_13 : i32
    %mul3A_15 = arith.constant 624 : i32
    %mul3A_16 = arith.muli %arg1, %mul3A_15 : i32
    "tpu.region"() ({
      %run_scoped3A = tpu.sem_alloc : memref<!tpu.dma_semaphore, #tpu.memory_space<semaphore_mem>>
      %dma_start3A = arith.constant 0 : i32
      %dma_start3A_22 = tpu.memref_slice %arg7[%arg0, %mul3A_16, %dma_start3A] : memref<2x10000x128xf32, #tpu.memory_space<hbm>> -> memref<1x624x128xf32, #tpu.memory_space<hbm>>
      %dma_start3A_23 = tpu.memref_squeeze %dma_start3A_22 : memref<1x624x128xf32, #tpu.memory_space<hbm>> -> memref<624x128xf32, #tpu.memory_space<hbm>>
      %dma_start3A_24 = arith.constant 0 : i32
      %dma_start3A_25 = tpu.memref_slice %arg12[%mul3A_14, %dma_start3A_24] : memref<10000x128xf32, #tpu.memory_space<vmem_shared>> -> memref<624x128xf32, #tpu.memory_space<vmem_shared>>
      tpu.enqueue_dma source(%dma_start3A_25 : memref<624x128xf32, #tpu.memory_space<vmem_shared>>) target(%dma_start3A_23 : memref<624x128xf32, #tpu.memory_space<hbm>>) target_semaphore(%run_scoped3A : memref<!tpu.dma_semaphore, #tpu.memory_space<semaphore_mem>>)
      %dma_wait3A = arith.constant 0 : i32
      %dma_wait3A_26 = tpu.memref_slice %arg7[%arg0, %mul3A_16, %dma_wait3A] : memref<2x10000x128xf32, #tpu.memory_space<hbm>> -> memref<1x624x128xf32, #tpu.memory_space<hbm>>
      %dma_wait3A_27 = tpu.memref_squeeze %dma_wait3A_26 : memref<1x624x128xf32, #tpu.memory_space<hbm>> -> memref<624x128xf32, #tpu.memory_space<hbm>>
      %dma_wait3A_28 = arith.constant 0 : i32
      %dma_wait3A_29 = tpu.memref_slice %arg12[%mul3A_14, %dma_wait3A_28] : memref<10000x128xf32, #tpu.memory_space<vmem_shared>> -> memref<624x128xf32, #tpu.memory_space<vmem_shared>>
      tpu.wait_dma2 semaphore(%run_scoped3A : memref<!tpu.dma_semaphore, #tpu.memory_space<semaphore_mem>>) src(%dma_wait3A_29 : memref<624x128xf32, #tpu.memory_space<vmem_shared>>) dst(%dma_wait3A_27 : memref<624x128xf32, #tpu.memory_space<hbm>>)
      tpu.yield
    }) : () -> ()
    %eq3A_17 = arith.constant 0 : i32
    %eq3A_18 = arith.cmpi eq, %arg1, %eq3A_17 : i32
    %convert_element_type3A_19 = arith.extui %eq3A_18 : i1 to i32
    %cond3A_20 = arith.constant 0 : i32
    %cond3A_21 = arith.cmpi ne, %convert_element_type3A_19, %cond3A_20 : i32
    scf.if %cond3A_21 {
      "tpu.region"() ({
        %run_scoped3A = tpu.sem_alloc : memref<!tpu.dma_semaphore, #tpu.memory_space<semaphore_mem>>
        %dma_start3A = arith.constant 9984 : i32
        %dma_start3A_22 = arith.constant 0 : i32
        %dma_start3A_23 = tpu.memref_slice %arg7[%arg0, %dma_start3A, %dma_start3A_22] : memref<2x10000x128xf32, #tpu.memory_space<hbm>> -> memref<1x16x128xf32, #tpu.memory_space<hbm>>
        %dma_start3A_24 = tpu.memref_squeeze %dma_start3A_23 : memref<1x16x128xf32, #tpu.memory_space<hbm>> -> memref<16x128xf32, #tpu.memory_space<hbm>>
        %dma_start3A_25 = arith.constant 9984 : i32
        %dma_start3A_26 = arith.constant 0 : i32
        %dma_start3A_27 = tpu.memref_slice %arg12[%dma_start3A_25, %dma_start3A_26] : memref<10000x128xf32, #tpu.memory_space<vmem_shared>> -> memref<16x128xf32, #tpu.memory_space<vmem_shared>>
        tpu.enqueue_dma source(%dma_start3A_27 : memref<16x128xf32, #tpu.memory_space<vmem_shared>>) target(%dma_start3A_24 : memref<16x128xf32, #tpu.memory_space<hbm>>) target_semaphore(%run_scoped3A : memref<!tpu.dma_semaphore, #tpu.memory_space<semaphore_mem>>)
        %dma_wait3A = arith.constant 9984 : i32
        %dma_wait3A_28 = arith.constant 0 : i32
        %dma_wait3A_29 = tpu.memref_slice %arg7[%arg0, %dma_wait3A, %dma_wait3A_28] : memref<2x10000x128xf32, #tpu.memory_space<hbm>> -> memref<1x16x128xf32, #tpu.memory_space<hbm>>
        %dma_wait3A_30 = tpu.memref_squeeze %dma_wait3A_29 : memref<1x16x128xf32, #tpu.memory_space<hbm>> -> memref<16x128xf32, #tpu.memory_space<hbm>>
        %dma_wait3A_31 = arith.constant 9984 : i32
        %dma_wait3A_32 = arith.constant 0 : i32
        %dma_wait3A_33 = tpu.memref_slice %arg12[%dma_wait3A_31, %dma_wait3A_32] : memref<10000x128xf32, #tpu.memory_space<vmem_shared>> -> memref<16x128xf32, #tpu.memory_space<vmem_shared>>
        tpu.wait_dma2 semaphore(%run_scoped3A : memref<!tpu.dma_semaphore, #tpu.memory_space<semaphore_mem>>) src(%dma_wait3A_33 : memref<16x128xf32, #tpu.memory_space<vmem_shared>>) dst(%dma_wait3A_30 : memref<16x128xf32, #tpu.memory_space<hbm>>)
        tpu.yield
      }) : () -> ()
    } else {
    }
    return
  }
}

module attributes {stable_mosaic.version = 14 : i64} {
  func.func @_edge_body(%arg0: i32, %arg1: memref<16x6400xf32, #tpu.memory_space<vmem>>, %arg2: memref<8x16xf32, #tpu.memory_space<vmem>>, %arg3: memref<8x1xf32, #tpu.memory_space<vmem>>, %arg4: memref<1x8xf32, #tpu.memory_space<vmem>>, %arg5: memref<1x1xf32, #tpu.memory_space<vmem>>, %arg6: memref<1x6400xf32, #tpu.memory_space<vmem>>) attributes {dimension_semantics = [#tpu.dimension_semantics<arbitrary>], iteration_bounds = array<i64: 50>, scalar_prefetch = 0 : i64, scratch_operands = 0 : i64, tpu.core_type = #tpu.core_type<tc>, window_params = [{transform_indices = @transform_0, window_bounds = array<i64: 16, 6400>}, {pipeline_mode = #tpu.pipeline_mode<synchronous>, transform_indices = @transform_1, window_bounds = array<i64: 8, 16>}, {pipeline_mode = #tpu.pipeline_mode<synchronous>, transform_indices = @transform_2, window_bounds = array<i64: 8, 1>}, {pipeline_mode = #tpu.pipeline_mode<synchronous>, transform_indices = @transform_3, window_bounds = array<i64: 1, 8>}, {pipeline_mode = #tpu.pipeline_mode<synchronous>, transform_indices = @transform_4, window_bounds = array<i64: 1, 1>}, {transform_indices = @transform_5, window_bounds = array<i64: 1, 6400>}]} {
    %get3A = arith.constant 0 : index
    %get3A_0 = arith.constant 0 : index
    %get3A_1 = vector.load %arg2[%get3A, %get3A_0] : memref<8x16xf32, #tpu.memory_space<vmem>>, vector<8x16xf32>
    %get3A_2 = arith.constant 0 : index
    %get3A_3 = arith.constant 0 : index
    %get3A_4 = vector.load %arg1[%get3A_2, %get3A_3] : memref<16x6400xf32, #tpu.memory_space<vmem>>, vector<16x6400xf32>
    %dot_general3A = arith.constant dense<0.000000e+00> : vector<8x6400xf32>
    %dot_general3A_5 = tpu.matmul %get3A_1, %get3A_4, %dot_general3A {dimension_numbers = #tpu.dot_dimension_numbers<[1], [0], [0], [1], [0, 0, 1, 1], [], []>, transpose_lhs_hint = false} : vector<8x16xf32>, vector<16x6400xf32>, vector<8x6400xf32> -> vector<8x6400xf32>
    %get3A_6 = arith.constant 0 : index
    %get3A_7 = arith.constant 0 : index
    %get3A_8 = vector.load %arg3[%get3A_6, %get3A_7] : memref<8x1xf32, #tpu.memory_space<vmem>>, vector<8x1xf32>
    %add3A = vector.broadcast %get3A_8 : vector<8x1xf32> to vector<8x6400xf32>
    %add3A_9 = arith.addf %dot_general3A_5, %add3A : vector<8x6400xf32>
    %ge3A = arith.constant 0.000000e+00 : f32
    %ge3A_10 = vector.broadcast %ge3A : f32 to vector<8x6400xf32>
    %ge3A_11 = arith.cmpf oge, %add3A_9, %ge3A_10 : vector<8x6400xf32>
    %mul3A = arith.constant 0.00999999977 : f32
    %mul3A_12 = vector.broadcast %mul3A : f32 to vector<8x6400xf32>
    %mul3A_13 = arith.mulf %mul3A_12, %add3A_9 : vector<8x6400xf32>
    %select_n3A = arith.select %ge3A_11, %add3A_9, %mul3A_13 : vector<8x6400xi1>, vector<8x6400xf32>
    %get3A_14 = arith.constant 0 : index
    %get3A_15 = arith.constant 0 : index
    %get3A_16 = vector.load %arg4[%get3A_14, %get3A_15] : memref<1x8xf32, #tpu.memory_space<vmem>>, vector<1x8xf32>
    %dot_general3A_17 = arith.constant dense<0.000000e+00> : vector<1x6400xf32>
    %dot_general3A_18 = tpu.matmul %get3A_16, %select_n3A, %dot_general3A_17 {dimension_numbers = #tpu.dot_dimension_numbers<[1], [0], [0], [1], [0, 0, 1, 1], [], []>, transpose_lhs_hint = false} : vector<1x8xf32>, vector<8x6400xf32>, vector<1x6400xf32> -> vector<1x6400xf32>
    %get3A_19 = arith.constant 0 : index
    %get3A_20 = arith.constant 0 : index
    %get3A_21 = vector.load %arg5[%get3A_19, %get3A_20] : memref<1x1xf32, #tpu.memory_space<vmem>>, vector<1x1xf32>
    %add3A_22 = vector.broadcast %get3A_21 : vector<1x1xf32> to vector<1x6400xf32>
    %add3A_23 = arith.addf %dot_general3A_18, %add3A_22 : vector<1x6400xf32>
    %gt3A = arith.constant 0.000000e+00 : f32
    %gt3A_24 = vector.broadcast %gt3A : f32 to vector<1x6400xf32>
    %gt3A_25 = arith.cmpf ogt, %add3A_23, %gt3A_24 : vector<1x6400xf32>
    %exp3A = math.exp %add3A_23 : vector<1x6400xf32>
    %sub3A = arith.constant 1.000000e+00 : f32
    %sub3A_26 = vector.broadcast %sub3A : f32 to vector<1x6400xf32>
    %sub3A_27 = arith.subf %exp3A, %sub3A_26 : vector<1x6400xf32>
    %select_n3A_28 = arith.select %gt3A_25, %add3A_23, %sub3A_27 : vector<1x6400xi1>, vector<1x6400xf32>
    %swap3A = arith.constant 0 : index
    %swap3A_29 = arith.constant 0 : index
    %swap3A_30 = vector.load %arg6[%swap3A, %swap3A_29] : memref<1x6400xf32, #tpu.memory_space<vmem>>, vector<1x6400xf32>
    tpu.vector_store %arg6[%swap3A, %swap3A_29], %select_n3A_28 {strides = array<i32>} : memref<1x6400xf32, #tpu.memory_space<vmem>>, vector<1x6400xf32>,
    return
  }
  func.func @transform_0(%arg0: i32) -> (i32, i32) {
    %c0_i32 = arith.constant 0 : i32
    %c0_i32_0 = arith.constant 0 : i32
    return %c0_i32, %arg0 : i32, i32
  }
  func.func @transform_1(%arg0: i32) -> (i32, i32) {
    %c0_i32 = arith.constant 0 : i32
    %c0_i32_0 = arith.constant 0 : i32
    %c0_i32_1 = arith.constant 0 : i32
    return %c0_i32, %c0_i32_0 : i32, i32
  }
  func.func @transform_2(%arg0: i32) -> (i32, i32) {
    %c0_i32 = arith.constant 0 : i32
    %c0_i32_0 = arith.constant 0 : i32
    %c0_i32_1 = arith.constant 0 : i32
    return %c0_i32, %c0_i32_0 : i32, i32
  }
  func.func @transform_3(%arg0: i32) -> (i32, i32) {
    %c0_i32 = arith.constant 0 : i32
    %c0_i32_0 = arith.constant 0 : i32
    %c0_i32_1 = arith.constant 0 : i32
    return %c0_i32, %c0_i32_0 : i32, i32
  }
  func.func @transform_4(%arg0: i32) -> (i32, i32) {
    %c0_i32 = arith.constant 0 : i32
    %c0_i32_0 = arith.constant 0 : i32
    %c0_i32_1 = arith.constant 0 : i32
    return %c0_i32, %c0_i32_0 : i32, i32
  }
  func.func @transform_5(%arg0: i32) -> (i32, i32) {
    %c0_i32 = arith.constant 0 : i32
    %c0_i32_0 = arith.constant 0 : i32
    return %c0_i32, %arg0 : i32, i32
  }
}

module attributes {stable_mosaic.version = 14 : i64} {
  func.func @_bn_body(%arg0: memref<10000x128xf32, #tpu.memory_space<vmem>>, %arg1: memref<1x128xf32, #tpu.memory_space<vmem>>, %arg2: memref<1x128xf32, #tpu.memory_space<vmem>>, %arg3: memref<10000x128xf32, #tpu.memory_space<vmem>>) attributes {dimension_semantics = [], scalar_prefetch = 0 : i64, scratch_operands = 0 : i64, tpu.core_type = #tpu.core_type<tc>} {
    %get3A = arith.constant 0 : index
    %get3A_0 = arith.constant 0 : index
    %get3A_1 = vector.load %arg0[%get3A, %get3A_0] : memref<10000x128xf32, #tpu.memory_space<vmem>>, vector<10000x128xf32>
    %reduce_sum3A = arith.constant dense<0.000000e+00> : vector<128xf32>
    %reduce_sum3A_2 = vector.multi_reduction <add>, %get3A_1, %reduce_sum3A [0] : vector<10000x128xf32> to vector<128xf32>
    %broadcast_in_dim3A = vector.shape_cast %reduce_sum3A_2 : vector<128xf32> to vector<1x128xf32>
    %div3A = arith.constant 1.000000e+04 : f32
    %div3A_3 = vector.broadcast %div3A : f32 to vector<1x128xf32>
    %div3A_4 = arith.divf %broadcast_in_dim3A, %div3A_3 : vector<1x128xf32>
    %sub3A = vector.broadcast %div3A_4 : vector<1x128xf32> to vector<10000x128xf32>
    %sub3A_5 = arith.subf %get3A_1, %sub3A : vector<10000x128xf32>
    %integer_pow3A = arith.mulf %sub3A_5, %sub3A_5 : vector<10000x128xf32>
    %reduce_sum3A_6 = arith.constant dense<0.000000e+00> : vector<128xf32>
    %reduce_sum3A_7 = vector.multi_reduction <add>, %integer_pow3A, %reduce_sum3A_6 [0] : vector<10000x128xf32> to vector<128xf32>
    %broadcast_in_dim3A_8 = vector.shape_cast %reduce_sum3A_7 : vector<128xf32> to vector<1x128xf32>
    %div3A_9 = arith.constant 1.000000e+04 : f32
    %div3A_10 = vector.broadcast %div3A_9 : f32 to vector<1x128xf32>
    %div3A_11 = arith.divf %broadcast_in_dim3A_8, %div3A_10 : vector<1x128xf32>
    %sub3A_12 = vector.broadcast %div3A_4 : vector<1x128xf32> to vector<10000x128xf32>
    %sub3A_13 = arith.subf %get3A_1, %sub3A_12 : vector<10000x128xf32>
    %add3A = arith.constant 9.99999974E-6 : f32
    %add3A_14 = vector.broadcast %add3A : f32 to vector<1x128xf32>
    %add3A_15 = arith.addf %div3A_11, %add3A_14 : vector<1x128xf32>
    %sqrt3A = math.sqrt %add3A_15 : vector<1x128xf32>
    %div3A_16 = vector.broadcast %sqrt3A : vector<1x128xf32> to vector<10000x128xf32>
    %div3A_17 = arith.divf %sub3A_13, %div3A_16 : vector<10000x128xf32>
    %get3A_18 = arith.constant 0 : index
    %get3A_19 = arith.constant 0 : index
    %get3A_20 = vector.load %arg1[%get3A_18, %get3A_19] : memref<1x128xf32, #tpu.memory_space<vmem>>, vector<1x128xf32>
    %mul3A = vector.broadcast %get3A_20 : vector<1x128xf32> to vector<10000x128xf32>
    %mul3A_21 = arith.mulf %div3A_17, %mul3A : vector<10000x128xf32>
    %get3A_22 = arith.constant 0 : index
    %get3A_23 = arith.constant 0 : index
    %get3A_24 = vector.load %arg2[%get3A_22, %get3A_23] : memref<1x128xf32, #tpu.memory_space<vmem>>, vector<1x128xf32>
    %add3A_25 = vector.broadcast %get3A_24 : vector<1x128xf32> to vector<10000x128xf32>
    %add3A_26 = arith.addf %mul3A_21, %add3A_25 : vector<10000x128xf32>
    %ge3A = arith.constant 0.000000e+00 : f32
    %ge3A_27 = vector.broadcast %ge3A : f32 to vector<10000x128xf32>
    %ge3A_28 = arith.cmpf oge, %add3A_26, %ge3A_27 : vector<10000x128xf32>
    %mul3A_29 = arith.constant 0.00999999977 : f32
    %mul3A_30 = vector.broadcast %mul3A_29 : f32 to vector<10000x128xf32>
    %mul3A_31 = arith.mulf %mul3A_30, %add3A_26 : vector<10000x128xf32>
    %select_n3A = arith.select %ge3A_28, %add3A_26, %mul3A_31 : vector<10000x128xi1>, vector<10000x128xf32>
    %swap3A = arith.constant 0 : index
    %swap3A_32 = arith.constant 0 : index
    %swap3A_33 = vector.load %arg3[%swap3A, %swap3A_32] : memref<10000x128xf32, #tpu.memory_space<vmem>>, vector<10000x128xf32>
    tpu.vector_store %arg3[%swap3A, %swap3A_32], %select_n3A {strides = array<i32>} : memref<10000x128xf32, #tpu.memory_space<vmem>>, vector<10000x128xf32>,
    return
  }
}

module attributes {stable_mosaic.version = 14 : i64} {
  func.func @_mlp_body(%arg0: i32, %arg1: memref<2x1000x128xf32, #tpu.memory_space<vmem>>, %arg2: memref<1000x128xf32, #tpu.memory_space<vmem>>, %arg3: memref<1000x128xf32, #tpu.memory_space<vmem>>, %arg4: memref<128x128xf32, #tpu.memory_space<vmem>>, %arg5: memref<1x128xf32, #tpu.memory_space<vmem>>, %arg6: memref<128x128xf32, #tpu.memory_space<vmem>>, %arg7: memref<1x128xf32, #tpu.memory_space<vmem>>, %arg8: memref<1000x128xf32, #tpu.memory_space<vmem>>) attributes {dimension_semantics = [#tpu.dimension_semantics<arbitrary>], iteration_bounds = array<i64: 10>, scalar_prefetch = 0 : i64, scratch_operands = 0 : i64, tpu.core_type = #tpu.core_type<tc>, window_params = [{transform_indices = @transform_0, window_bounds = array<i64: 2, 1000, 128>}, {transform_indices = @transform_1, window_bounds = array<i64: 1000, 128>}, {transform_indices = @transform_2, window_bounds = array<i64: 1000, 128>}, {pipeline_mode = #tpu.pipeline_mode<synchronous>, transform_indices = @transform_3, window_bounds = array<i64: 128, 128>}, {pipeline_mode = #tpu.pipeline_mode<synchronous>, transform_indices = @transform_4, window_bounds = array<i64: 1, 128>}, {pipeline_mode = #tpu.pipeline_mode<synchronous>, transform_indices = @transform_5, window_bounds = array<i64: 128, 128>}, {pipeline_mode = #tpu.pipeline_mode<synchronous>, transform_indices = @transform_6, window_bounds = array<i64: 1, 128>}, {transform_indices = @transform_7, window_bounds = array<i64: 1000, 128>}]} {
    %get3A = arith.constant 0 : index
    %get3A_0 = arith.constant 0 : index
    %get3A_1 = arith.constant 0 : index
    %get3A_2 = vector.load %arg1[%get3A, %get3A_0, %get3A_1] : memref<2x1000x128xf32, #tpu.memory_space<vmem>>, vector<1x1000x128xf32>
    %get3A_3 = vector.shape_cast %get3A_2 : vector<1x1000x128xf32> to vector<1000x128xf32>
    %get3A_4 = arith.constant 1 : index
    %get3A_5 = arith.constant 0 : index
    %get3A_6 = arith.constant 0 : index
    %get3A_7 = vector.load %arg1[%get3A_4, %get3A_5, %get3A_6] : memref<2x1000x128xf32, #tpu.memory_space<vmem>>, vector<1x1000x128xf32>
    %get3A_8 = vector.shape_cast %get3A_7 : vector<1x1000x128xf32> to vector<1000x128xf32>
    %add3A = arith.addf %get3A_3, %get3A_8 : vector<1000x128xf32>
    %get3A_9 = arith.constant 0 : index
    %get3A_10 = arith.constant 0 : index
    %get3A_11 = vector.load %arg2[%get3A_9, %get3A_10] : memref<1000x128xf32, #tpu.memory_space<vmem>>, vector<1000x128xf32>
    %add3A_12 = arith.addf %add3A, %get3A_11 : vector<1000x128xf32>
    %get3A_13 = arith.constant 0 : index
    %get3A_14 = arith.constant 0 : index
    %get3A_15 = vector.load %arg4[%get3A_13, %get3A_14] : memref<128x128xf32, #tpu.memory_space<vmem>>, vector<128x128xf32>
    %dot_general3A = arith.constant dense<0.000000e+00> : vector<1000x128xf32>
    %dot_general3A_16 = tpu.matmul %add3A_12, %get3A_15, %dot_general3A {dimension_numbers = #tpu.dot_dimension_numbers<[1], [0], [0], [1], [0, 0, 1, 1], [], []>, transpose_lhs_hint = false} : vector<1000x128xf32>, vector<128x128xf32>, vector<1000x128xf32> -> vector<1000x128xf32>
    %get3A_17 = arith.constant 0 : index
    %get3A_18 = arith.constant 0 : index
    %get3A_19 = vector.load %arg5[%get3A_17, %get3A_18] : memref<1x128xf32, #tpu.memory_space<vmem>>, vector<1x128xf32>
    %add3A_20 = vector.broadcast %get3A_19 : vector<1x128xf32> to vector<1000x128xf32>
    %add3A_21 = arith.addf %dot_general3A_16, %add3A_20 : vector<1000x128xf32>
    %ge3A = arith.constant 0.000000e+00 : f32
    %ge3A_22 = vector.broadcast %ge3A : f32 to vector<1000x128xf32>
    %ge3A_23 = arith.cmpf oge, %add3A_21, %ge3A_22 : vector<1000x128xf32>
    %mul3A = arith.constant 0.00999999977 : f32
    %mul3A_24 = vector.broadcast %mul3A : f32 to vector<1000x128xf32>
    %mul3A_25 = arith.mulf %mul3A_24, %add3A_21 : vector<1000x128xf32>
    %select_n3A = arith.select %ge3A_23, %add3A_21, %mul3A_25 : vector<1000x128xi1>, vector<1000x128xf32>
    %get3A_26 = arith.constant 0 : index
    %get3A_27 = arith.constant 0 : index
    %get3A_28 = vector.load %arg6[%get3A_26, %get3A_27] : memref<128x128xf32, #tpu.memory_space<vmem>>, vector<128x128xf32>
    %dot_general3A_29 = arith.constant dense<0.000000e+00> : vector<1000x128xf32>
    %dot_general3A_30 = tpu.matmul %select_n3A, %get3A_28, %dot_general3A_29 {dimension_numbers = #tpu.dot_dimension_numbers<[1], [0], [0], [1], [0, 0, 1, 1], [], []>, transpose_lhs_hint = false} : vector<1000x128xf32>, vector<128x128xf32>, vector<1000x128xf32> -> vector<1000x128xf32>
    %get3A_31 = arith.constant 0 : index
    %get3A_32 = arith.constant 0 : index
    %get3A_33 = vector.load %arg7[%get3A_31, %get3A_32] : memref<1x128xf32, #tpu.memory_space<vmem>>, vector<1x128xf32>
    %add3A_34 = vector.broadcast %get3A_33 : vector<1x128xf32> to vector<1000x128xf32>
    %add3A_35 = arith.addf %dot_general3A_30, %add3A_34 : vector<1000x128xf32>
    %get3A_36 = arith.constant 0 : index
    %get3A_37 = arith.constant 0 : index
    %get3A_38 = vector.load %arg3[%get3A_36, %get3A_37] : memref<1000x128xf32, #tpu.memory_space<vmem>>, vector<1000x128xf32>
    %add3A_39 = arith.addf %add3A_35, %get3A_38 : vector<1000x128xf32>
    %swap3A = arith.constant 0 : index
    %swap3A_40 = arith.constant 0 : index
    %swap3A_41 = vector.load %arg8[%swap3A, %swap3A_40] : memref<1000x128xf32, #tpu.memory_space<vmem>>, vector<1000x128xf32>
    tpu.vector_store %arg8[%swap3A, %swap3A_40], %add3A_39 {strides = array<i32>} : memref<1000x128xf32, #tpu.memory_space<vmem>>, vector<1000x128xf32>,
    return
  }
  func.func @transform_0(%arg0: i32) -> (i32, i32, i32) {
    %c0_i32 = arith.constant 0 : i32
    %c0_i32_0 = arith.constant 0 : i32
    %c0_i32_1 = arith.constant 0 : i32
    return %c0_i32, %arg0, %c0_i32_0 : i32, i32, i32
  }
  func.func @transform_1(%arg0: i32) -> (i32, i32) {
    %c0_i32 = arith.constant 0 : i32
    %c0_i32_0 = arith.constant 0 : i32
    return %arg0, %c0_i32 : i32, i32
  }
  func.func @transform_2(%arg0: i32) -> (i32, i32) {
    %c0_i32 = arith.constant 0 : i32
    %c0_i32_0 = arith.constant 0 : i32
    return %arg0, %c0_i32 : i32, i32
  }
  func.func @transform_3(%arg0: i32) -> (i32, i32) {
    %c0_i32 = arith.constant 0 : i32
    %c0_i32_0 = arith.constant 0 : i32
    %c0_i32_1 = arith.constant 0 : i32
    return %c0_i32, %c0_i32_0 : i32, i32
  }
  func.func @transform_4(%arg0: i32) -> (i32, i32) {
    %c0_i32 = arith.constant 0 : i32
    %c0_i32_0 = arith.constant 0 : i32
    %c0_i32_1 = arith.constant 0 : i32
    return %c0_i32, %c0_i32_0 : i32, i32
  }
  func.func @transform_5(%arg0: i32) -> (i32, i32) {
    %c0_i32 = arith.constant 0 : i32
    %c0_i32_0 = arith.constant 0 : i32
    %c0_i32_1 = arith.constant 0 : i32
    return %c0_i32, %c0_i32_0 : i32, i32
  }
  func.func @transform_6(%arg0: i32) -> (i32, i32) {
    %c0_i32 = arith.constant 0 : i32
    %c0_i32_0 = arith.constant 0 : i32
    %c0_i32_1 = arith.constant 0 : i32
    return %c0_i32, %c0_i32_0 : i32, i32
  }
  func.func @transform_7(%arg0: i32) -> (i32, i32) {
    %c0_i32 = arith.constant 0 : i32
    %c0_i32_0 = arith.constant 0 : i32
    return %arg0, %c0_i32 : i32, i32
  }
}

</mosaic_0001>

<sc_bundles>
// kernel: kernel.6.cloned.1.call-start
scs
__scs_entry_jumppad:
0x0: {  	(pc) =	sbr.rel $0x88, $3  }
0x1: {  	(tag) =	ssettag $0x0;
	lr =	simm.s32 $0x1  }
0x2: {  	[smem:$0x3F94] =	sst lr;
	_ =	strace $0xD0000000  }
0x3: {  	_ = 	snop  }
0x4: {  	_ = 	snop  }
0x5: {  	_ = 	snop  }
0x6: {  	_ = 	snop  }
0x7: {  	_ = 	snop  }
__scs_overlays_trampoline_lowered:
0x8: {  	[smem:$0x3FA3] =	sst s0  }
0x9: {  	[smem:$0x3FA4] =	sst s1  }
0xa: {  	[smem:$0x3FA5] =	sst s2  }
0xb: {  	[smem:$0x3FA6] =	sst s3  }
0xc: {  	[smem:$0x3FA7] =	sst s4  }
0xd: {  	[smem:$0x3FA8] =	sst s5  }
0xe: {  	[smem:$0x3FA9] =	sst s6  }
0xf: {  	[smem:$0x3FAA] =	sst s7  }
0x10: {  	[smem:$0x3FAB] =	sst s8  }
0x11: {  	[smem:$0x3FAC] =	sst s9;
	s0 =	simm.s32 @!p0 $0x0  }
0x12: {  	s1 =	sld [smem:$0x3F92];
	s0 =	simm.s32 @p0 $0x1  }
0x13: {  	[smem:$0x3FAD] =	sst s0;
	s0 =	simm.s32 @!p1 $0x0  }
0x14: {  	s2 =	sld [smem:$0x3F91];
	s0 =	simm.s32 @p1 $0x1  }
0x15: {  	[smem:$0x3FAE] =	sst s0;
	s0 =	simm.s32 @!p2 $0x0  }
0x16: {  	s3 =	sld [smem:$0x3FDB];
	s0 =	simm.s32 @p2 $0x1  }
0x17: {  	s4 =	simm.s32 $0x1BF5;
	[smem:$0x3FB0] =	sst s0  }
0x18: {  	s0 =	sld [smem:$0x3F93];
	_ =	swait.ge [sflag:s4], $0x0  }
0x19: {  	s7 =	sld [smem:$0x3F94]  }
0x1a: {  	s8 =	sadd.s32 $0xFFFFE003, lr  }
0x1b: {  	s9 =	sadd.s32 $0xFFFFFEF7, lr;
	s5 =	simm.s32 $0xFFFFFFFF;
	p2 =	slt.u32 s8, $0xFFFFF086  }
0x1c: {  	p1 =	slt.u32 s9, $0xF7A;
	s5 =	simm.s32 @!p2 $0x0  }
0x1d: {  	s5 =	simm.s32 @p1 $0x1;
	p0 =	seq.s32 s7, s2  }
0x1e: {  	s7 =	smul.u32 @!p0 $0xF7A, s2;
	p2 =	seq.s32 @!p0 s5, $0x0  }
0x1f: {  	s9 =	smul.u32 $0xF7A, s1;
	s8 =	simm.s32 @!p0 $0x1BF5;
	p2 =	por !p2, p0  }
0x20: {  	[sflag:s8] =	ssyncset.s32 @!p0 $0xFFFFF086;
	s6 =	sadd.s32 @!p0 s3, s7;
	s7 =	simm.s32 @!p0 $0x108  }
0x21: {  	s3 =	sadd.s32 s3, s9;
	s6 =	sadd.s32 @!p0 $0x88, s6;
	s7 =	simm.s32 @p2 $0x1082  }
0x22: {  	[simem:s7], [sflag:s8] =	dma.local @!p0 [hbm:s6], $0xF7A  }
0x23: {  	s9 =	sor.u32 $0xD0000000, s2;
	s6 =	simm.s32 $0x108;
	_ =	swait.ge @!p0 [sflag:s8], $0x0  }
0x24: {  	s3 =	sadd.s32 $0x88, s3;
	s6 =	simm.s32 @!p1 $0x1082;
	[sflag:s4] =	ssyncset.s32 $0xFFFFF086  }
0x25: {  	[simem:s6], [sflag:s4] =	dma.local [hbm:s3], $0xF7A  }
0x26: {  	[smem:$0x3F94] =	sst s1;
	(tag) =	ssettag s2;
	_ =	strace s9  }
0x27: {  	s1 =	sld [smem:$0x3FA4]  }
0x28: {  	s2 =	sld [smem:$0x3FA5]  }
0x29: {  	s4 =	sld [smem:$0x3FA7]  }
0x2a: {  	p0 =	seq.s32 s5, $0x0;
	s5 =	sld [smem:$0x3FA8]  }
0x2b: {  	s6 =	sld [smem:$0x3FA9]  }
0x2c: {  	s7 =	sld [smem:$0x3FAA]  }
0x2d: {  	s3 =	simm.s32 $0x108;
	s8 =	sld [smem:$0x3FAB]  }
0x2e: {  	s3 =	simm.s32 @!p0 $0x1082;
	s9 =	sld [smem:$0x3FAC]  }
0x2f: {  	lr =	sadd.s32 s0, s3;
	s0 =	sld [smem:$0x3FA3]  }
0x30: {  	s3 =	sld [smem:$0x3FA6]  }
0x31: {  	[smem:$0x3FAF] =	sst s10  }
0x32: {  	s10 =	sld [smem:$0x3FAD];
	_ =	sdelay $0x3  }
0x33: {  	p0 =	seq.s32 s10, $0x1;
	s10 =	sld [smem:$0x3FAF];
	_ =	sdelay $0x3  }
0x34: {  	[smem:$0x3FAF] =	sst s10  }
0x35: {  	s10 =	sld [smem:$0x3FAE];
	_ =	sdelay $0x3  }
0x36: {  	p1 =	seq.s32 s10, $0x1;
	s10 =	sld [smem:$0x3FAF];
	_ =	sdelay $0x3  }
0x37: {  	[smem:$0x3FAF] =	sst s10  }
0x38: {  	s10 =	sld [smem:$0x3FB0]  }
0x39: {  	_ = 	snop;
	(pc) =	sbr.ind lr, $3  }
0x3a: {  	_ = 	snop  }
0x3b: {  	_ = 	snop  }
0x3c: {  	p2 =	seq.s32 s10, $0x1;
	s10 =	sld [smem:$0x3FAF]  }
0x3d: {  	_ =	shalt  }
0x3e: {  	_ =	shalt  }
0x3f: {  	_ =	shalt  }
0x40: {  	_ =	shalt  }
0x41: {  	_ =	shalt  }
0x42: {  	_ =	shalt  }
0x43: {  	_ =	shalt  }
0x44: {  	_ =	shalt  }
0x45: {  	_ =	shalt  }
0x46: {  	_ =	shalt  }
0x47: {  	_ =	shalt  }
0x48: {  	_ =	shalt  }
0x49: {  	_ =	shalt  }
0x4a: {  	_ =	shalt  }
0x4b: {  	_ =	shalt  }
0x4c: {  	_ =	shalt  }
0x4d: {  	_ =	shalt  }
0x4e: {  	_ =	shalt  }
0x4f: {  	_ =	shalt  }
0x50: {  	_ =	shalt  }
0x51: {  	_ =	shalt  }
0x52: {  	_ =	shalt  }
0x53: {  	_ =	shalt  }
0x54: {  	_ =	shalt  }
0x55: {  	_ =	shalt  }
0x56: {  	_ =	shalt  }
0x57: {  	_ =	shalt  }
0x58: {  	_ =	shalt  }
0x59: {  	_ =	shalt  }
0x5a: {  	_ =	shalt  }
0x5b: {  	_ =	shalt  }
0x5c: {  	_ =	shalt  }
0x5d: {  	_ =	shalt  }
0x5e: {  	_ =	shalt  }
0x5f: {  	_ =	shalt  }
0x60: {  	_ =	shalt  }
0x61: {  	_ =	shalt  }
0x62: {  	_ =	shalt  }
0x63: {  	_ =	shalt  }
0x64: {  	_ =	shalt  }
0x65: {  	_ =	shalt  }
0x66: {  	_ =	shalt  }
0x67: {  	_ =	shalt  }
0x68: {  	_ =	shalt  }
0x69: {  	_ =	shalt  }
0x6a: {  	_ =	shalt  }
0x6b: {  	_ =	shalt  }
0x6c: {  	_ =	shalt  }
0x6d: {  	_ =	shalt  }
0x6e: {  	_ =	shalt  }
0x6f: {  	_ =	shalt  }
0x70: {  	_ =	shalt  }
0x71: {  	_ =	shalt  }
0x72: {  	_ =	shalt  }
0x73: {  	_ =	shalt  }
0x74: {  	_ =	shalt  }
0x75: {  	_ =	shalt  }
0x76: {  	_ =	shalt  }
0x77: {  	_ =	shalt  }
0x78: {  	_ =	shalt  }
0x79: {  	_ =	shalt  }
0x7a: {  	_ =	shalt  }
0x7b: {  	_ =	shalt  }
0x7c: {  	_ =	shalt  }
0x7d: {  	_ =	shalt  }
0x7e: {  	_ =	shalt  }
0x7f: {  	_ =	shalt  }
0x80: {  	_ =	shalt  }
0x81: {  	_ =	shalt  }
0x82: {  	_ =	shalt  }
0x83: {  	_ =	shalt  }
0x84: {  	_ =	shalt  }
0x85: {  	_ =	shalt  }
0x86: {  	_ =	shalt  }
0x87: {  	_ =	shalt  }
.Lfunc_end0:
.L_simem_size_0:
called_computation_lowered:
.L_overlay_start_0:
0x88: {  	s2 =	sld [smem:$0x3FD9]  }
0x89: {  	s3 =	sld [smem:$0x3FFE];
	_ =	sdelay $0x1  }
0x8a: {  	s1 =	srdreg.scid  }
0x8b: {  	s0 =	sand.u32 $0x1, s1  }
0x8c: {  	s17 =	sshll.u32 s0, $0xA;
	s2 =	sadd.s32 s3, s2  }
0x8d: {  	s2 =	sadd.s32 s2, s17  }
0x8e: {  	[smem:$0x3FBB] =	sst s2  }
0x8f: {  	_ = 	snop  }
0x90: {  	s2 =	sld [smem:$0x3FD0];
	(tm) =	ssettm $0x1  }
0x91: {  	s18 =	sld [smem:$0x3FFB];
	_ =	sdelay $0x3  }
0x92: {  	_ =	strace s18  }
0x93: {  	s3 =	sld [smem:$0x3FFC];
	_ =	sdelay $0x3  }
0x94: {  	_ =	strace s3  }
0x95: {  	s3 =	sld [smem:$0x3FFD];
	_ =	sdelay $0x3  }
0x96: {  	_ =	strace s3  }
0x97: {  	_ =	strace $0x8FFFFFFF  }
0x98: {  	s19 =	sld [smem:$0x3FDB];
	_ =	sdelay $0x1  }
0x99: {  	s4 =	simm.s32 $_scs_section_size  }
0x9a: {  	s5 =	simm.s32 $_size__tile_overlayer_lowered;
	s6 =	simm.s32 $_tile_overlayer_lowered  }
0x9b: {  	s22 =	simm.s32 $0x1BFF;
	s21 =	sshll.u32 s6, $0x1;
	s3 =	sadd.s32 s4, s19  }
0x9c: {  	s7 =	simm.s32 $0x0;
	s20 =	sshll.u32 s5, $0x1;
	s5 =	sadd.s32 s21, s3  }
0x9d: {  	[timem:s7], [sflag:s22] =	dma.local [hbm:s5], s20  }
0x9e: {  	_ =	swait.ge [sflag:s22], s20  }
0x9f: {  	s4 =	ssub.s32 $0x0, s20;
	[sflag:s22] =	ssyncset.done $0x0  }
0xa0: {  	[sflag:s22] =	ssyncadd.s32 s4;
	_ =	sdelay $0x1  }
0xa1: {  	s23 =	simm.s32 $0x1B8B  }
0xa2: {  	_ =	swait.ge [sflag:s23], $0x1  }
0xa3: {  	[sflag:s23] =	ssyncset.done $0x0  }
0xa4: {  	s25 =	simm.s32 $0x1B8E;
	s24 =	sld [smem:$0x3FFE];
	[sflag:s23] =	ssyncadd.s32 $0xFFFFFFFF  }
0xa5: {  	s26 =	simm.s32 $execute0_lowered;
	[smem:$0x3FD2] =	sst s25  }
0xa6: {  	s5 =	sshll.u32 s26, $0x1;
	_ =	strace $0x80000046;
	[dreg:$0x1] =	wrdreg $0xFFFFFFFF  }
0xa7: {  	s28 =	simm.s32 $_size_execute0_lowered;
	s3 =	sadd.s32 s3, s5;
	[dreg:$0x0] =	wrdreg $0x0  }
0xa8: {  	s5 =	sshll.u32 s28, $0x1;
	[dreg:$0x2] =	wrdreg s3  }
0xa9: {  	[dreg:$0x3] =	wrdreg s5  }
0xaa: {  	[dreg:$0x4] =	wrdreg $0xC0  }
0xab: {  	_ =	task [dreg:s7], $0x5FFFF  }
0xac: {  	[dreg:$0x1] =	wrdreg $0xFFFFFFFF  }
0xad: {  	[dreg:$0x0] =	wrdreg $0x60  }
0xae: {  	[dreg:$0x2] =	wrdreg s2  }
0xaf: {  	[dreg:$0x3] =	wrdreg s24  }
0xb0: {  	[dreg:$0x4] =	wrdreg $0xA8000  }
0xb1: {  	[dreg:$0x5] =	wrdreg $0x9  }
0xb2: {  	_ =	task.clear_ibuf [dreg:s7], $0x6FFFF;
	_ =	strace $0x90000046  }
0xb3: {  	s29 =	simm.s32 $0x9;
	_ =	strace $0x80000048  }
0xb4: {  	_ =	swait.ge [sflag:s29], $0x1  }
0xb5: {  	[sflag:s29] =	ssyncadd.s32 $0xFFFFFFFF  }
0xb6: {  	_ =	strace $0x90000048  }
0xb7: {  	_ =	sfence  }
0xb8: {  	s30 =	sld [smem:$0x0];
	_ =	sdelay $0x2  }
0xb9: {  	s31 =	sshll.u32 s1, $0xD;
	s1 =	sshrl.u32 s1, $0x2  }
0xba: {  	s3 =	sand.u32 $0x4000, s31;
	s1 =	sadd.s32 s1, s30  }
0xbb: {  	s0 =	sor.u32 s3, s0;
	s1 =	sshll.u32 s1, $0x11  }
0xbc: {  	s0 =	sor.u32 s1, s0  }
0xbd: {  	s0 =	sadd.s32 $0x8F2B, s0  }
0xbe: {  	[sflag:s0] =	ssyncadd.remote.s32 $0x1  }
0xbf: {  	_ =	sfence.sel $0xFFFF  }
0xc0: {  	[dreg:$0x0] =	wrdreg $0xFFFFFFFF;
	(pc) =	sbr.abs _section_cstart, $3  }
0xc1: {  	[dreg:$0x1] =	wrdreg $0xFFFFFFFF  }
0xc2: {  	_ =	task.clear_ibuf [dreg:s7], $0x2FFFF;
	_ =	strace $0x9FFFFFFF  }
0xc3: {  	(tm) =	ssettm $0x7FFFFFFF  }
tec
execute0_lowered:
.L_overlay_start_1:
0x0: {  	(tag) =	ssettag $0x1  }
0x1: {  	s1 =	rddreg [dreg:$0x0]  }
0x2: {  	s0 =	rddreg [dreg:$0x1]  }
0x3: {  	s2 =	rddreg [dreg:$0x2]  }
0x4: {  	s3 =	simm.s32 $0x0;
	s7 =	srdreg.scid;
	s10 =	stileid.u32  }
0x5: {  	s18 =	simm.s32 $0x80;
	s19 =	simm.s32 $0x2800;
	s20 =	simm.s32 $0x6800  }
0x6: {  	s21 =	simm.s32 $0x1;
	s22 =	simm.s32 $0x3;
	s23 =	simm.s32 $0x2  }
0x7: {  	[smem:$0x7FF] =	sst s3;
	s4 =	sadd.s32 $0x20000, s0;
	s5 =	sadd.s32 $0x16000, s0  }
0x8: {  	s6 =	sadd.s32 $0x2000, s0;
	s8 =	sand.u32 $0x1, s7;
	s7 =	sadd.s32 $0x2A000, s0  }
0x9: {  	s0 =	sadd.s32 $0x2C800, s0;
	s12 =	smul.u32 $0x4E000, s10;
	s29 =	sshll.u32 s10, $0x1  }
0xa: {  	s14 =	sshll.u32 s10, $0x6;
	s15 =	smul.u32 $0x13800, s10;
	s17 =	sadd.s32 $0x138000, s2  }
0xb: {  	p0 =	sne.s32 s10, $0x0;
	_ =	strace $0x80000047;
	s9 =	ssub.s32 $0x2, s8  }
0xc: {  	s30 =	smul.u32 $0x138800, s8;
	s11 =	sshrl.u32 s9, $0x1;
	s12 =	sshrl.u32 s12, $0x2  }
0xd: {  	s13 =	ssub.s32 s9, s11;
	s9 =	sor.u32 s8, s29;
	s16 =	sadd.s32 s12, s2  }
0xe: {  	s8 =	sor.u32 $0x1C04, s14;
	s31 =	sadd.s32 s15, s30;
	s11 =	sshrl.u32 s30, $0x3  }
0xf: {  	s14 =	simm.s32 $0x4;
	s15 =	sshrl.u32 @!p0 s17, $0x3;
	s17 =	simm.s32 $0x1400  }
0x10: {  	s9 =	smul.u32 $0x50, s9;
	s12 =	sshrl.u32 s31, $0x3;
	s11 =	sadd.s32 s0, s11  }
0x11: {  	s0 =	sadd.s32 s0, s12;
	s11 =	sadd.s32 $0x27000, s11;
	s12 =	smax.u32 s13, $0x1  }
0x12: {  	s13 =	sshrl.u32 s16, $0x3;
	s16 =	simm.s32 $0xA00;
	[dreg:$0x4] =	wrdreg s0  }
.LBB2_1:
0x13: {  	[spmem:s13], [sflag:s8] =	dma.local [hbm:s7], $0x2700  }
0x14: {  	_ =	swait.ge [sflag:s14], $0x2700  }
0x15: {  	[sflag:s14] =	ssyncset.done $0x0  }
0x16: {  	s0 =	simm.s32 @!p0 $0x4;
	[sflag:s14] =	ssyncadd.s32 $0xFFFFD900  }
0x17: {  	[spmem:s15], [sflag:s8] =	dma.local @!p0 [hbm:s7], $0x100  }
0x18: {  	_ =	swait.ge @!p0 [sflag:s0], $0x100  }
0x19: {  	[sflag:s0] =	ssyncset.done @!p0 $0x0  }
0x1a: {  	[sflag:s0] =	ssyncadd.s32 @!p0 $0xFFFFFF00  }
0x1b: {  	s24 =	simm.s32 $0x0;
	[bflag:$0x0] =	sbarrier.arrive $0xFFFF  }
.LBB2_2:
0x1c: {  	s0 =	smul.u32 $0x14, s24;
	_ =	sdelay $0x1  }
0x1d: {  	s0 =	sadd.s32 s9, s0  }
0x1e: {  	s10 =	sshll.u32 s0, $0x4  }
0x1f: {  	s25 =	simm.s32 $0x0;
	s26 =	sadd.s32 s4, s10  }
0x20: {  	[tilespmem:s25], [sflag:$0x4] =	stream.linear.gather [hbm4b:s26+s25], $0xA00, $0x38;
	[tilespmem:$0x1E080] =	vst v63  }
0x21: {  	_ =	swait.ge [sflag:s14], $0xA00  }
0x22: {  	[sflag:s14] =	ssyncset.done $0x0  }
0x23: {  	s10 =	sadd.s32 s5, s10;
	[sflag:s14] =	ssyncadd.s32 $0xFFFFF600  }
0x24: {  	[tilespmem:s16], [sflag:$0x4] =	stream.linear.gather [hbm4b:s10+s25], $0xA00, $0x38;
	[tilespmem:$0x1E080] =	vst v63  }
0x25: {  	_ =	swait.ge [sflag:s14], $0xA00  }
0x26: {  	s0 =	sshll.u32 s0, $0x5;
	[sflag:s14] =	ssyncset.done $0x0  }
0x27: {  	s0 =	sadd.s32 s6, s0;
	[sflag:s14] =	ssyncadd.s32 $0xFFFFF600  }
0x28: {  	[tilespmem:s17], [sflag:$0x4] =	stream.linear.gather [hbm4b:s0+s25], $0x1400, $0x38;
	[tilespmem:$0x1E080] =	vst v63  }
0x29: {  	_ =	swait.ge [sflag:s14], $0x1400  }
0x2a: {  	[sflag:s14] =	ssyncset.done $0x0  }
0x2b: {  	s28 =	simm.s32 $0x1503;
	s26 =	simm.s32 $0x1402;
	[sflag:s14] =	ssyncadd.s32 $0xFFFFEC00  }
0x2c: {  	[tilespmem:s19], [sflag:$0x1] =	stream.indirect.gather [hbm4b:s1+s18], $0x80, s25, s18, $0xb8;
	[tilespmem:$0x1E080] =	vst v63  }
.LBB2_3:
0x2d: {  	p1 =	seq.s32 s25, $0x0  }
0x2e: {  	s0 =	sshll.u32 s25, $0x1;
	s10 =	simm.s32 @!p1 $0x3  }
0x2f: {  	s0 =	sshll.u32 s0, $0x9;
	_ =	swait.ge @!p1 [sflag:s10], $0x4000  }
0x30: {  	s29 =	sor.u32 $0x200, s0;
	[sflag:s10] =	ssyncset.done @!p1 $0x0  }
0x31: {  	s0 =	sshrl.u32 s29, $0x2;
	[sflag:s10] =	ssyncadd.s32 @!p1 $0xFFFFC000  }
0x32: {  	[tilespmem:s20], [sflag:$0x2] =	stream.indirect.gather [hbm4b:s1+s18], $0x80, s0, s18, $0xb8;
	[tilespmem:$0x1E080] =	vst v63  }
0x33: {  	_ =	swait.ge [sflag:s21], $0x4000  }
0x34: {  	[sflag:s21] =	ssyncset.done $0x0  }
0x35: {  	[sflag:s21] =	ssyncadd.s32 $0xFFFFC000  }
0x36: {  	s30 =	simm.s32 $0x2900;
	v0 =	vld.msk [tilespmem:s26+$0x1 ss:$0x0], $0xffff  }
0x37: {  	v2 =	vld [tilespmem:s30+$0xF0]  }
0x38: {  	v1 =	vld.msk [tilespmem:s26+$0xFFFFFFFE ss:$0x0], $0xffff  }
0x39: {  	v3 =	vld.msk [tilespmem:s26+$0xFFFFFFFF ss:$0x0], $0xffff  }
0x3a: {  	v4 =	vld [tilespmem:s30+$0xFFFFFF10]  }
0x3b: {  	v5 =	vld [tilespmem:s30+$0xFFFFFF20]  }
0x3c: {  	v9 =	vld [tilespmem:s30+$0xFFFFFF60]  }
0x3d: {  	v10 =	vld [tilespmem:s30+$0xFFFFFF70]  }
0x3e: {  	v6 =	vld [tilespmem:s30+$0xFFFFFF30]  }
0x3f: {  	v7 =	vld [tilespmem:s30+$0xFFFFFF40];
	v2 =	vmul.f32 v2, v0  }
0x40: {  	v8 =	vld [tilespmem:s30+$0xFFFFFF50];
	v4 =	vmul.f32 v4, v1  }
0x41: {  	v11 =	vld [tilespmem:s30+$0xFFFFFF80];
	v9 =	vmul.f32 v9, v1;
	[tilespmem:s30+$0xF0] =	vst v2  }
0x42: {  	v10 =	vmul.f32 v10, v1;
	v2 =	vmul.f32 v5, v1;
	v5 =	vld [tilespmem:s30+$0xFFFFFF90];
	[tilespmem:s30+$0xFFFFFF10] =	vst v4  }
0x43: {  	v4 =	vmul.f32 v6, v1;
	v6 =	vld [tilespmem:s30+$0xFFFFFFA0];
	[tilespmem:s30+$0xFFFFFF60] =	vst v9  }
0x44: {  	v9 =	vld [tilespmem:s30+$0xFFFFFFF0];
	[tilespmem:s30+$0xFFFFFF70] =	vst v10  }
0x45: {  	[tilespmem:s30+$0xFFFFFF20] =	vst v2;
	v2 =	vmul.f32 v7, v1;
	v7 =	vld [tilespmem:s30+$0xFFFFFFB0]  }
0x46: {  	[tilespmem:s30+$0xFFFFFF30] =	vst v4;
	v4 =	vmul.f32 v8, v1;
	v8 =	vld [tilespmem:s30+$0xFFFFFFC0]  }
0x47: {  	[tilespmem:s30+$0xFFFFFF40] =	vst v2;
	v2 =	vmul.f32 v3, v11;
	v11 =	vld [tilespmem:s30+$0xFFFFFFD0]  }
0x48: {  	[tilespmem:s30+$0xFFFFFF50] =	vst v4;
	v4 =	vld [tilespmem:s30+$0xFFFFFFE0];
	v5 =	vmul.f32 v5, v3  }
0x49: {  	v10 =	vld [tilespmem:s30+$0x0];
	v6 =	vmul.f32 v6, v3;
	[tilespmem:s30+$0xFFFFFF80] =	vst v2  }
0x4a: {  	v2 =	vld.msk [tilespmem:s26+$0x0 ss:$0x0], $0xffff;
	[tilespmem:s30+$0xFFFFFF90] =	vst v5;
	v5 =	vmul.f32 v7, v3  }
0x4b: {  	v7 =	vld [tilespmem:s30+$0x10];
	[tilespmem:s30+$0xFFFFFFA0] =	vst v6;
	v6 =	vmul.f32 v8, v3  }
0x4c: {  	v8 =	vld [tilespmem:s30+$0x20];
	[tilespmem:s30+$0xFFFFFFB0] =	vst v5;
	v5 =	vmul.f32 v11, v3  }
0x4d: {  	v11 =	vld [tilespmem:s30+$0x30];
	[tilespmem:s30+$0xFFFFFFC0] =	vst v6;
	v4 =	vmul.f32 v4, v3  }
0x4e: {  	v6 =	vld [tilespmem:s30+$0x40];
	v3 =	vmul.f32 v9, v3;
	[tilespmem:s30+$0xFFFFFFD0] =	vst v5  }
0x4f: {  	v5 =	vmul.f32 v2, v10;
	v10 =	vld [tilespmem:s30+$0x50];
	[tilespmem:s30+$0xFFFFFFE0] =	vst v4  }
0x50: {  	v4 =	vld [tilespmem:s30+$0x60];
	[tilespmem:s30+$0xFFFFFFF0] =	vst v3;
	v7 =	vmul.f32 v7, v2  }
0x51: {  	v3 =	vmul.f32 v8, v2;
	[tilespmem:s30+$0x0] =	vst v5;
	v5 =	vld [tilespmem:s30+$0x70]  }
0x52: {  	v8 =	vld [tilespmem:s30+$0x80];
	[tilespmem:s30+$0x10] =	vst v7;
	v7 =	vmul.f32 v11, v2  }
0x53: {  	[tilespmem:s30+$0x20] =	vst v3;
	v3 =	vmul.f32 v6, v2;
	v6 =	vld [tilespmem:s30+$0x90]  }
0x54: {  	v9 =	vld [tilespmem:s30+$0xA0];
	[tilespmem:s30+$0x30] =	vst v7;
	v7 =	vmul.f32 v10, v2  }
0x55: {  	[tilespmem:s30+$0x40] =	vst v3;
	v4 =	vmul.f32 v4, v2;
	v3 =	vld [tilespmem:s30+$0xB0]  }
0x56: {  	[tilespmem:s30+$0x50] =	vst v7;
	v5 =	vmul.f32 v5, v2;
	v2 =	vld [tilespmem:s30+$0xC0]  }
0x57: {  	v8 =	vmul.f32 v0, v8;
	[tilespmem:s30+$0x60] =	vst v4;
	v4 =	vld [tilespmem:s30+$0xD0]  }
0x58: {  	v7 =	vmul.f32 v6, v0;
	[tilespmem:s30+$0x70] =	vst v5;
	v5 =	vld [tilespmem:s30+$0xE0]  }
0x59: {  	s31 =	simm.s32 $0x0;
	s10 =	simm.s32 $0x2900;
	s0 =	sadd.s32 $0x4, s26;
	v6 =	vld [tilespmem:s30+$0xFFFFFF00];
	[tilespmem:s30+$0x80] =	vst v8;
	v8 =	vmul.f32 v9, v0  }
.LBB2_4:
0x5a: {  	v9 =	vld.msk [tilespmem:s0+$0x1 ss:$0x0], $0xffff;
	s31 =	sadd.s32 $0x4, s31;
	[tilespmem:s30+$0x90] =	vst v7;
	v3 =	vmul.f32 v3, v0;
	s10 =	sadd.s32 $0x200, s10  }
0x5b: {  	v7 =	vld [tilespmem:s10+$0xF0];
	p1 =	slt.u32 s31, $0x7C;
	[tilespmem:s30+$0xA0] =	vst v8;
	v2 =	vmul.f32 v2, v0  }
0x5c: {  	v8 =	vld.msk [tilespmem:s0+$0xFFFFFFFE ss:$0x0], $0xffff;
	[tilespmem:s30+$0xB0] =	vst v3;
	v3 =	vmul.f32 v4, v0  }
0x5d: {  	v4 =	vld.msk [tilespmem:s0+$0xFFFFFFFF ss:$0x0], $0xffff;
	[tilespmem:s30+$0xC0] =	vst v2;
	v10 =	vmul.f32 v5, v0  }
0x5e: {  	v2 =	vld.msk [tilespmem:s0+$0x0 ss:$0x0], $0xffff;
	v1 =	vmul.f32 v1, v6;
	[tilespmem:s30+$0xD0] =	vst v3  }
0x5f: {  	v3 =	vld [tilespmem:s10+$0xFFFFFF10];
	[tilespmem:s30+$0xE0] =	vst v10  }
0x60: {  	v0 =	vmov v9;
	v5 =	vld [tilespmem:s10+$0xFFFFFF20];
	v6 =	vmul.f32 v7, v9;
	[tilespmem:s30+$0xFFFFFF00] =	vst v1;
	s30 =	smov.u32 s10  }
0x61: {  	v7 =	vld [tilespmem:s10+$0xFFFFFF30]  }
0x62: {  	v9 =	vld [tilespmem:s10+$0xFFFFFF40];
	[tilespmem:s10+$0xF0] =	vst v6;
	v1 =	vmov v8  }
0x63: {  	v6 =	vld [tilespmem:s10+$0xFFFFFF50]  }
0x64: {  	v3 =	vmul.f32 v3, v1;
	v8 =	vld [tilespmem:s10+$0xFFFFFF60]  }
0x65: {  	v5 =	vmul.f32 v5, v1;
	v10 =	vld [tilespmem:s10+$0xFFFFFF70]  }
0x66: {  	[tilespmem:s10+$0xFFFFFF10] =	vst v3;
	v3 =	vmul.f32 v7, v1;
	v7 =	vld [tilespmem:s10+$0xFFFFFF80]  }
0x67: {  	[tilespmem:s10+$0xFFFFFF20] =	vst v5;
	v5 =	vmul.f32 v9, v1;
	v9 =	vld [tilespmem:s10+$0xFFFFFF90]  }
0x68: {  	[tilespmem:s10+$0xFFFFFF30] =	vst v3;
	v3 =	vmul.f32 v6, v1;
	v6 =	vld [tilespmem:s10+$0xFFFFFFA0]  }
0x69: {  	[tilespmem:s10+$0xFFFFFF40] =	vst v5;
	v5 =	vmul.f32 v8, v1;
	v8 =	vld [tilespmem:s10+$0xFFFFFFB0]  }
0x6a: {  	[tilespmem:s10+$0xFFFFFF50] =	vst v3;
	v3 =	vmul.f32 v10, v1;
	v10 =	vld [tilespmem:s10+$0xFFFFFFC0]  }
0x6b: {  	[tilespmem:s10+$0xFFFFFF60] =	vst v5;
	v5 =	vmul.f32 v4, v7;
	v7 =	vld [tilespmem:s10+$0xFFFFFFD0]  }
0x6c: {  	[tilespmem:s10+$0xFFFFFF70] =	vst v3;
	v3 =	vmul.f32 v9, v4;
	v9 =	vld [tilespmem:s10+$0xFFFFFFE0]  }
0x6d: {  	[tilespmem:s10+$0xFFFFFF80] =	vst v5;
	v5 =	vmul.f32 v6, v4;
	v6 =	vld [tilespmem:s10+$0xFFFFFFF0]  }
0x6e: {  	[tilespmem:s10+$0xFFFFFF90] =	vst v3;
	v3 =	vmul.f32 v8, v4;
	v8 =	vld [tilespmem:s10+$0x0]  }
0x6f: {  	[tilespmem:s10+$0xFFFFFFA0] =	vst v5;
	v5 =	vmul.f32 v10, v4;
	v10 =	vld [tilespmem:s10+$0x10]  }
0x70: {  	[tilespmem:s10+$0xFFFFFFB0] =	vst v3;
	v3 =	vmul.f32 v7, v4;
	v7 =	vld [tilespmem:s10+$0x20]  }
0x71: {  	[tilespmem:s10+$0xFFFFFFC0] =	vst v5;
	v5 =	vmul.f32 v9, v4;
	v9 =	vld [tilespmem:s10+$0x30]  }
0x72: {  	[tilespmem:s10+$0xFFFFFFD0] =	vst v3;
	v3 =	vmul.f32 v6, v4;
	v4 =	vld [tilespmem:s10+$0x40]  }
0x73: {  	[tilespmem:s10+$0xFFFFFFE0] =	vst v5;
	v5 =	vmul.f32 v2, v8;
	v6 =	vld [tilespmem:s10+$0x50]  }
0x74: {  	[tilespmem:s10+$0xFFFFFFF0] =	vst v3;
	v3 =	vmul.f32 v10, v2;
	v8 =	vld [tilespmem:s10+$0x60]  }
0x75: {  	[tilespmem:s10+$0x0] =	vst v5;
	v5 =	vmul.f32 v7, v2;
	v7 =	vld [tilespmem:s10+$0x70]  }
0x76: {  	[tilespmem:s10+$0x10] =	vst v3;
	v3 =	vmul.f32 v9, v2;
	v9 =	vld [tilespmem:s10+$0x80]  }
0x77: {  	[tilespmem:s10+$0x20] =	vst v5;
	v4 =	vmul.f32 v4, v2;
	v5 =	vld [tilespmem:s10+$0x90]  }
0x78: {  	[tilespmem:s10+$0x30] =	vst v3;
	v6 =	vmul.f32 v6, v2;
	v10 =	vld [tilespmem:s10+$0xA0]  }
.Ltmp0:
0x79: {  	[tilespmem:s10+$0x40] =	vst v4;
	v4 =	vmul.f32 v8, v2;
	v3 =	vld [tilespmem:s10+$0xB0];
	(pc) =	sbr.rel @p1 .LBB2_4-.Ltmp0, $4  }
0x7a: {  	[tilespmem:s10+$0x50] =	vst v6;
	v6 =	vmul.f32 v7, v2;
	v2 =	vld [tilespmem:s10+$0xC0]  }
0x7b: {  	[tilespmem:s10+$0x60] =	vst v4;
	v8 =	vmul.f32 v0, v9;
	v4 =	vld [tilespmem:s10+$0xD0]  }
0x7c: {  	[tilespmem:s10+$0x70] =	vst v6;
	v7 =	vmul.f32 v5, v0;
	v5 =	vld [tilespmem:s10+$0xE0]  }
0x7d: {  	s0 =	sadd.s32 $0x4, s0;
	v6 =	vld [tilespmem:s10+$0xFFFFFF00];
	[tilespmem:s10+$0x80] =	vst v8;
	v8 =	vmul.f32 v10, v0  }
0x7e: {  	[tilespmem:s30+$0x90] =	vst v7;
	v3 =	vmul.f32 v3, v0  }
0x7f: {  	[tilespmem:s30+$0xA0] =	vst v8;
	v2 =	vmul.f32 v2, v0  }
0x80: {  	[tilespmem:s30+$0xB0] =	vst v3;
	v3 =	vmul.f32 v4, v0  }
0x81: {  	[tilespmem:s30+$0xC0] =	vst v2;
	v0 =	vmul.f32 v5, v0  }
0x82: {  	s0 =	sshll.u32 s25, $0xA;
	v1 =	vmul.f32 v1, v6;
	[tilespmem:s30+$0xD0] =	vst v3  }
0x83: {  	s10 =	sshrl.u32 s0, $0x2;
	[tilespmem:s30+$0xE0] =	vst v0  }
0x84: {  	p1 =	seq.s32 s25, $0x9;
	s10 =	sadd.s32 $0xA00, s10;
	[tilespmem:s30+$0xFFFFFF00] =	vst v1  }
0x85: {  	[spmem:s2] =	stream.indirect.scatter.add.f32 [tilespmem:s19], [sflag:$0x3], $0x80, s10, s18, $0xb8;
	[tilespmem:$0x1E080] =	vst v63  }
0x86: {  	s0 =	sshrl.u32 @!p1 s0, $0x2;
	_ =	swait.ge [sflag:s22], $0x4000  }
0x87: {  	s0 =	sadd.s32 @!p1 $0x100, s0;
	[sflag:s22] =	ssyncset.done $0x0  }
0x88: {  	s30 =	simm.s32 @!p1 $0x2800;
	s10 =	simm.s32 @!p1 $0x80;
	[sflag:s22] =	ssyncadd.s32 $0xFFFFC000  }
0x89: {  	[tilespmem:s30], [sflag:$0x1] =	stream.indirect.gather @!p1 [hbm4b:s1+s10], $0x80, s0, s10, $0xb8;
	[tilespmem:$0x1E080] =	vst v63  }
0x8a: {  	_ =	swait.ge [sflag:s23], $0x4000  }
0x8b: {  	[sflag:s23] =	ssyncset.done $0x0  }
0x8c: {  	[sflag:s23] =	ssyncadd.s32 $0xFFFFC000  }
0x8d: {  	s30 =	simm.s32 $0x69F0;
	v0 =	vld.msk [tilespmem:s28+$0x0 ss:$0x0], $0xffff  }
0x8e: {  	v2 =	vld [tilespmem:s30+$0x0]  }
0x8f: {  	v1 =	vld.msk [tilespmem:s28+$0xFFFFFFFD ss:$0x0], $0xffff  }
0x90: {  	v3 =	vld.msk [tilespmem:s28+$0xFFFFFFFE ss:$0x0], $0xffff  }
0x91: {  	v4 =	vld [tilespmem:s30+$0xFFFFFE20]  }
0x92: {  	v5 =	vld [tilespmem:s30+$0xFFFFFE30]  }
0x93: {  	v9 =	vld [tilespmem:s30+$0xFFFFFE70]  }
0x94: {  	v10 =	vld [tilespmem:s30+$0xFFFFFE80]  }
0x95: {  	v6 =	vld [tilespmem:s30+$0xFFFFFE40]  }
0x96: {  	v7 =	vld [tilespmem:s30+$0xFFFFFE50];
	v2 =	vmul.f32 v2, v0  }
0x97: {  	v8 =	vld [tilespmem:s30+$0xFFFFFE60];
	v4 =	vmul.f32 v4, v1  }
0x98: {  	v11 =	vld [tilespmem:s30+$0xFFFFFE90];
	v9 =	vmul.f32 v9, v1;
	[tilespmem:s30+$0x0] =	vst v2  }
0x99: {  	v10 =	vmul.f32 v10, v1;
	v2 =	vmul.f32 v5, v1;
	v5 =	vld [tilespmem:s30+$0xFFFFFEA0];
	[tilespmem:s30+$0xFFFFFE20] =	vst v4  }
0x9a: {  	v4 =	vmul.f32 v6, v1;
	v6 =	vld [tilespmem:s30+$0xFFFFFEB0];
	[tilespmem:s30+$0xFFFFFE70] =	vst v9  }
0x9b: {  	v9 =	vld [tilespmem:s30+$0xFFFFFF00];
	[tilespmem:s30+$0xFFFFFE80] =	vst v10  }
0x9c: {  	[tilespmem:s30+$0xFFFFFE30] =	vst v2;
	v2 =	vmul.f32 v7, v1;
	v7 =	vld [tilespmem:s30+$0xFFFFFEC0]  }
0x9d: {  	[tilespmem:s30+$0xFFFFFE40] =	vst v4;
	v4 =	vmul.f32 v8, v1;
	v8 =	vld [tilespmem:s30+$0xFFFFFED0]  }
0x9e: {  	[tilespmem:s30+$0xFFFFFE50] =	vst v2;
	v2 =	vmul.f32 v3, v11;
	v11 =	vld [tilespmem:s30+$0xFFFFFEE0]  }
0x9f: {  	[tilespmem:s30+$0xFFFFFE60] =	vst v4;
	v4 =	vld [tilespmem:s30+$0xFFFFFEF0];
	v5 =	vmul.f32 v5, v3  }
0xa0: {  	v10 =	vld [tilespmem:s30+$0xFFFFFF10];
	v6 =	vmul.f32 v6, v3;
	[tilespmem:s30+$0xFFFFFE90] =	vst v2  }
0xa1: {  	v2 =	vld.msk [tilespmem:s28+$0xFFFFFFFF ss:$0x0], $0xffff;
	[tilespmem:s30+$0xFFFFFEA0] =	vst v5;
	v5 =	vmul.f32 v7, v3  }
0xa2: {  	v7 =	vld [tilespmem:s30+$0xFFFFFF20];
	[tilespmem:s30+$0xFFFFFEB0] =	vst v6;
	v6 =	vmul.f32 v8, v3  }
0xa3: {  	v8 =	vld [tilespmem:s30+$0xFFFFFF30];
	[tilespmem:s30+$0xFFFFFEC0] =	vst v5;
	v5 =	vmul.f32 v11, v3  }
0xa4: {  	v11 =	vld [tilespmem:s30+$0xFFFFFF40];
	[tilespmem:s30+$0xFFFFFED0] =	vst v6;
	v4 =	vmul.f32 v4, v3  }
0xa5: {  	v6 =	vld [tilespmem:s30+$0xFFFFFF50];
	v3 =	vmul.f32 v9, v3;
	[tilespmem:s30+$0xFFFFFEE0] =	vst v5  }
0xa6: {  	v5 =	vmul.f32 v2, v10;
	v10 =	vld [tilespmem:s30+$0xFFFFFF60];
	[tilespmem:s30+$0xFFFFFEF0] =	vst v4  }
0xa7: {  	v4 =	vld [tilespmem:s30+$0xFFFFFF70];
	[tilespmem:s30+$0xFFFFFF00] =	vst v3;
	v7 =	vmul.f32 v7, v2  }
0xa8: {  	v3 =	vmul.f32 v8, v2;
	[tilespmem:s30+$0xFFFFFF10] =	vst v5;
	v5 =	vld [tilespmem:s30+$0xFFFFFF80]  }
0xa9: {  	v8 =	vld [tilespmem:s30+$0xFFFFFF90];
	[tilespmem:s30+$0xFFFFFF20] =	vst v7;
	v7 =	vmul.f32 v11, v2  }
0xaa: {  	[tilespmem:s30+$0xFFFFFF30] =	vst v3;
	v3 =	vmul.f32 v6, v2;
	v6 =	vld [tilespmem:s30+$0xFFFFFFA0]  }
0xab: {  	v9 =	vld [tilespmem:s30+$0xFFFFFFB0];
	[tilespmem:s30+$0xFFFFFF40] =	vst v7;
	v7 =	vmul.f32 v10, v2  }
0xac: {  	[tilespmem:s30+$0xFFFFFF50] =	vst v3;
	v4 =	vmul.f32 v4, v2;
	v3 =	vld [tilespmem:s30+$0xFFFFFFC0]  }
0xad: {  	[tilespmem:s30+$0xFFFFFF60] =	vst v7;
	v5 =	vmul.f32 v5, v2;
	v2 =	vld [tilespmem:s30+$0xFFFFFFD0]  }
0xae: {  	v8 =	vmul.f32 v0, v8;
	[tilespmem:s30+$0xFFFFFF70] =	vst v4;
	v4 =	vld [tilespmem:s30+$0xFFFFFFE0]  }
0xaf: {  	v7 =	vmul.f32 v6, v0;
	[tilespmem:s30+$0xFFFFFF80] =	vst v5;
	v5 =	vld [tilespmem:s30+$0xFFFFFFF0]  }
0xb0: {  	s31 =	simm.s32 $0x0;
	s0 =	sadd.s32 $0x4, s28;
	s10 =	simm.s32 $0x69F0;
	v6 =	vld [tilespmem:s30+$0xFFFFFE10];
	[tilespmem:s30+$0xFFFFFF90] =	vst v8;
	v8 =	vmul.f32 v9, v0  }
.LBB2_6:
0xb1: {  	v9 =	vld.msk [tilespmem:s0+$0x0 ss:$0x0], $0xffff;
	s31 =	sadd.s32 $0x4, s31;
	[tilespmem:s30+$0xFFFFFFA0] =	vst v7;
	v3 =	vmul.f32 v3, v0;
	s10 =	sadd.s32 $0x200, s10  }
0xb2: {  	v7 =	vld [tilespmem:s10+$0x0];
	p1 =	slt.u32 s31, $0x7C;
	[tilespmem:s30+$0xFFFFFFB0] =	vst v8;
	v2 =	vmul.f32 v2, v0  }
0xb3: {  	v8 =	vld.msk [tilespmem:s0+$0xFFFFFFFD ss:$0x0], $0xffff;
	[tilespmem:s30+$0xFFFFFFC0] =	vst v3;
	v3 =	vmul.f32 v4, v0  }
0xb4: {  	v4 =	vld.msk [tilespmem:s0+$0xFFFFFFFE ss:$0x0], $0xffff;
	[tilespmem:s30+$0xFFFFFFD0] =	vst v2;
	v10 =	vmul.f32 v5, v0  }
0xb5: {  	v2 =	vld.msk [tilespmem:s0+$0xFFFFFFFF ss:$0x0], $0xffff;
	v1 =	vmul.f32 v1, v6;
	[tilespmem:s30+$0xFFFFFFE0] =	vst v3  }
0xb6: {  	v3 =	vld [tilespmem:s10+$0xFFFFFE20];
	[tilespmem:s30+$0xFFFFFFF0] =	vst v10  }
0xb7: {  	v0 =	vmov v9;
	v5 =	vld [tilespmem:s10+$0xFFFFFE30];
	v6 =	vmul.f32 v7, v9;
	[tilespmem:s30+$0xFFFFFE10] =	vst v1;
	s30 =	smov.u32 s10  }
0xb8: {  	v7 =	vld [tilespmem:s10+$0xFFFFFE40]  }
0xb9: {  	v9 =	vld [tilespmem:s10+$0xFFFFFE50];
	[tilespmem:s10+$0x0] =	vst v6;
	v1 =	vmov v8  }
0xba: {  	v6 =	vld [tilespmem:s10+$0xFFFFFE60]  }
0xbb: {  	v3 =	vmul.f32 v3, v1;
	v8 =	vld [tilespmem:s10+$0xFFFFFE70]  }
0xbc: {  	v5 =	vmul.f32 v5, v1;
	v10 =	vld [tilespmem:s10+$0xFFFFFE80]  }
0xbd: {  	[tilespmem:s10+$0xFFFFFE20] =	vst v3;
	v3 =	vmul.f32 v7, v1;
	v7 =	vld [tilespmem:s10+$0xFFFFFE90]  }
0xbe: {  	[tilespmem:s10+$0xFFFFFE30] =	vst v5;
	v5 =	vmul.f32 v9, v1;
	v9 =	vld [tilespmem:s10+$0xFFFFFEA0]  }
0xbf: {  	[tilespmem:s10+$0xFFFFFE40] =	vst v3;
	v3 =	vmul.f32 v6, v1;
	v6 =	vld [tilespmem:s10+$0xFFFFFEB0]  }
0xc0: {  	[tilespmem:s10+$0xFFFFFE50] =	vst v5;
	v5 =	vmul.f32 v8, v1;
	v8 =	vld [tilespmem:s10+$0xFFFFFEC0]  }
0xc1: {  	[tilespmem:s10+$0xFFFFFE60] =	vst v3;
	v3 =	vmul.f32 v10, v1;
	v10 =	vld [tilespmem:s10+$0xFFFFFED0]  }
0xc2: {  	[tilespmem:s10+$0xFFFFFE70] =	vst v5;
	v5 =	vmul.f32 v4, v7;
	v7 =	vld [tilespmem:s10+$0xFFFFFEE0]  }
0xc3: {  	[tilespmem:s10+$0xFFFFFE80] =	vst v3;
	v3 =	vmul.f32 v9, v4;
	v9 =	vld [tilespmem:s10+$0xFFFFFEF0]  }
0xc4: {  	[tilespmem:s10+$0xFFFFFE90] =	vst v5;
	v5 =	vmul.f32 v6, v4;
	v6 =	vld [tilespmem:s10+$0xFFFFFF00]  }
0xc5: {  	[tilespmem:s10+$0xFFFFFEA0] =	vst v3;
	v3 =	vmul.f32 v8, v4;
	v8 =	vld [tilespmem:s10+$0xFFFFFF10]  }
0xc6: {  	[tilespmem:s10+$0xFFFFFEB0] =	vst v5;
	v5 =	vmul.f32 v10, v4;
	v10 =	vld [tilespmem:s10+$0xFFFFFF20]  }
0xc7: {  	[tilespmem:s10+$0xFFFFFEC0] =	vst v3;
	v3 =	vmul.f32 v7, v4;
	v7 =	vld [tilespmem:s10+$0xFFFFFF30]  }
0xc8: {  	[tilespmem:s10+$0xFFFFFED0] =	vst v5;
	v5 =	vmul.f32 v9, v4;
	v9 =	vld [tilespmem:s10+$0xFFFFFF40]  }
0xc9: {  	[tilespmem:s10+$0xFFFFFEE0] =	vst v3;
	v3 =	vmul.f32 v6, v4;
	v4 =	vld [tilespmem:s10+$0xFFFFFF50]  }
0xca: {  	[tilespmem:s10+$0xFFFFFEF0] =	vst v5;
	v5 =	vmul.f32 v2, v8;
	v6 =	vld [tilespmem:s10+$0xFFFFFF60]  }
0xcb: {  	[tilespmem:s10+$0xFFFFFF00] =	vst v3;
	v3 =	vmul.f32 v10, v2;
	v8 =	vld [tilespmem:s10+$0xFFFFFF70]  }
0xcc: {  	[tilespmem:s10+$0xFFFFFF10] =	vst v5;
	v5 =	vmul.f32 v7, v2;
	v7 =	vld [tilespmem:s10+$0xFFFFFF80]  }
0xcd: {  	[tilespmem:s10+$0xFFFFFF20] =	vst v3;
	v3 =	vmul.f32 v9, v2;
	v9 =	vld [tilespmem:s10+$0xFFFFFF90]  }
0xce: {  	[tilespmem:s10+$0xFFFFFF30] =	vst v5;
	v4 =	vmul.f32 v4, v2;
	v5 =	vld [tilespmem:s10+$0xFFFFFFA0]  }
0xcf: {  	[tilespmem:s10+$0xFFFFFF40] =	vst v3;
	v6 =	vmul.f32 v6, v2;
	v10 =	vld [tilespmem:s10+$0xFFFFFFB0]  }
.Ltmp1:
0xd0: {  	[tilespmem:s10+$0xFFFFFF50] =	vst v4;
	v4 =	vmul.f32 v8, v2;
	v3 =	vld [tilespmem:s10+$0xFFFFFFC0];
	(pc) =	sbr.rel @p1 .LBB2_6-.Ltmp1, $4  }
0xd1: {  	[tilespmem:s10+$0xFFFFFF60] =	vst v6;
	v6 =	vmul.f32 v7, v2;
	v2 =	vld [tilespmem:s10+$0xFFFFFFD0]  }
0xd2: {  	[tilespmem:s10+$0xFFFFFF70] =	vst v4;
	v8 =	vmul.f32 v0, v9;
	v4 =	vld [tilespmem:s10+$0xFFFFFFE0]  }
0xd3: {  	[tilespmem:s10+$0xFFFFFF80] =	vst v6;
	v7 =	vmul.f32 v5, v0;
	v5 =	vld [tilespmem:s10+$0xFFFFFFF0]  }
0xd4: {  	s0 =	sadd.s32 $0x4, s0;
	v6 =	vld [tilespmem:s10+$0xFFFFFE10];
	[tilespmem:s10+$0xFFFFFF90] =	vst v8;
	v8 =	vmul.f32 v10, v0  }
0xd5: {  	[tilespmem:s30+$0xFFFFFFA0] =	vst v7;
	v3 =	vmul.f32 v3, v0  }
0xd6: {  	s25 =	sadd.s32 $0x1, s25;
	[tilespmem:s30+$0xFFFFFFB0] =	vst v8;
	v2 =	vmul.f32 v2, v0  }
0xd7: {  	p1 =	sne.s32 s25, $0xA;
	[tilespmem:s30+$0xFFFFFFC0] =	vst v3;
	v62 =	vmul.f32 v4, v0  }
.Ltmp2:
0xd8: {  	[tilespmem:s30+$0xFFFFFFD0] =	vst v2;
	v63 =	vmul.f32 v5, v0;
	(pc) =	sbr.rel @p1 .LBB2_3-.Ltmp2, $4  }
0xd9: {  	v1 =	vmul.f32 v1, v6;
	[tilespmem:s30+$0xFFFFFFE0] =	vst v62  }
0xda: {  	s0 =	sshra.s32 s29, $0x2;
	[tilespmem:s30+$0xFFFFFFF0] =	vst v63  }
0xdb: {  	s26 =	sadd.s32 $0x200, s26;
	s28 =	sadd.s32 $0x200, s28;
	s0 =	sadd.s32 $0xA00, s0;
	[tilespmem:s30+$0xFFFFFE10] =	vst v1  }
0xdc: {  	[spmem:s2] =	stream.indirect.scatter.add.f32 [tilespmem:s20], [sflag:$0x3], $0x80, s0, s18, $0xb8;
	[tilespmem:$0x1E080] =	vst v63  }
0xdd: {  	s24 =	sadd.s32 $0x1, s24  }
0xde: {  	p1 =	sne.s32 s24, $0x4  }
.Ltmp3:
0xdf: {  	_ = 	snop;
	(pc) =	sbr.rel @p1 .LBB2_2-.Ltmp3, $4  }
0xe0: {  	_ = 	snop  }
0xe1: {  	_ =	swait.ge [sflag:s22], $0x4000  }
0xe2: {  	[sflag:s22] =	ssyncset.done $0x0  }
0xe3: {  	[sflag:s22] =	ssyncadd.s32 $0xFFFFC000  }
0xe4: {  	[bflag:$0x0] =	sbarrier.arrive $0xFFFF  }
0xe5: {  	s0 =	rddreg [dreg:$0x4]  }
0xe6: {  	[hbm:s0], [sflag:s8] =	dma.local [spmem:s13], $0x2700  }
0xe7: {  	s3 =	sadd.s32 $0x1, s3;
	_ =	swait.ge [sflag:s14], $0x2700  }
0xe8: {  	p1 =	sne.s32 s3, s12;
	[sflag:s14] =	ssyncset.done $0x0  }
.Ltmp4:
0xe9: {  	s0 =	simm.s32 @!p0 $0x4;
	[sflag:s14] =	ssyncadd.s32 $0xFFFFD900;
	(pc) =	sbr.rel @p1 .LBB2_1-.Ltmp4, $4  }
0xea: {  	[hbm:s11], [sflag:s8] =	dma.local @!p0 [spmem:s15], $0x100  }
0xeb: {  	_ =	swait.ge @!p0 [sflag:s0], $0x100  }
0xec: {  	[sflag:s0] =	ssyncset.done @!p0 $0x0  }
0xed: {  	[sflag:s0] =	ssyncadd.s32 @!p0 $0xFFFFFF00  }
0xee: {  	_ =	sfence.sel $0x180000  }
0xef: {  	[bflag:$0x0] =	sbarrier.arrive $0xFFFF  }
0xf0: {  	_ =	strace $0x90000047  }
0xf1: {  	[bflag:$0x2] =	sbarrier.arrive $0xFFFF  }
0xf2: {  	s0 =	rddreg [dreg:$0x3]  }
0xf3: {  	s0 =	sadd.s32 @!p0 $0x100000, s0  }
0xf4: {  	[sflag:s0] =	ssyncadd.tile.s32 @!p0 $0x1;
	_ =	shalt  }
.Lfunc_end2:
_tile_overlayer_lowered:
.L_overlay_start_2:
0xf5: {  	(tag) =	ssettag $0x2  }
0xf6: {  	s0 =	rddreg [dreg:$0x0];
	s2 =	stileid.u32  }
0xf7: {  	s1 =	rddreg [dreg:$0x1];
	p0 =	sne.s32 s2, $0x0  }
0xf8: {  	s3 =	rddreg [dreg:$0x2];
	[bflag:$0x3] =	sbarrier.arrive $0xFFFF;
	s2 =	simm.s32 @!p0 $0x1C04  }
0xf9: {  	[timem:s3], [sflag:s2] =	dma.local @!p0 [hbm:s0], s1  }
0xfa: {  	s0 =	simm.s32 @!p0 $0x4  }
0xfb: {  	_ =	swait.ge @!p0 [sflag:s0], s1  }
0xfc: {  	s1 =	ssub.s32 @!p0 $0x0, s1;
	[sflag:s0] =	ssyncset.done @!p0 $0x0  }
0xfd: {  	[sflag:s0] =	ssyncadd.s32 @!p0 s1  }
0xfe: {  	[bflag:$0x3] =	sbarrier.arrive $0xFFFF  }
0xff: {  	_ =	shalt  }

</sc_bundles>
